<compile_context>
chip_gen: v7x
topology: tpu7x:2x2x1
jax: 0.10.2.dev20260603
libtpu: 0.0.44.dev20260713+nightly
codegen_flags: <defaults>
</compile_context>

<pallas_src>
import functools

import jax
import jax.numpy as jnp
from jax import lax
from jax.experimental import pallas as pl
from jax.experimental.pallas import tpu as pltpu
from jax.experimental.pallas import tpu_sc as plsc

_NC = 2
_NS = 16
_NW = _NC * _NS

_D = 64
_SUB = 128
_NSUB = 5
_CH = _SUB * _NSUB


def _gather(weight, idx2d):
    n = idx2d.shape[0] * _SUB
    b_per_w = n // _NW
    nchunks = b_per_w // _CH
    rows_per_w = b_per_w // _SUB

    mesh = plsc.VectorSubcoreMesh(core_axis_name="c", subcore_axis_name="s")

    @functools.partial(
        pl.kernel,
        out_type=jax.ShapeDtypeStruct((n, _D), jnp.float32),
        mesh=mesh,
        scratch_types=[
            pltpu.VMEM((rows_per_w, _SUB), jnp.int32),
            pltpu.VMEM((2, _CH, _D), jnp.float32),
            pltpu.SemaphoreType.DMA,
        ],
        compiler_params=pltpu.CompilerParams(use_tc_tiling_on_sc=False),
    )
    def k(w_hbm, idx_hbm, out_hbm, idx_v, rows_v, gsem):
        wid = lax.axis_index("s") * _NC + lax.axis_index("c")
        row0 = wid * rows_per_w

        pltpu.sync_copy(idx_hbm.at[pl.ds(row0, rows_per_w)], idx_v)

        def fire_gathers(b, irow):
            return [
                pltpu.async_copy(
                    w_hbm.at[idx_v.at[irow + j]],
                    rows_v.at[b, pl.ds(j * _SUB, _SUB)],
                    gsem,
                )
                for j in range(_NSUB)
            ]

        @pl.loop(0, nchunks // 2)
        def _pair(i):
            irow0 = i * 2 * _NSUB

            cps_a = fire_gathers(0, irow0)

            @pl.when(i > 0)
            def _wb_prev():
                pltpu.sync_copy(
                    rows_v.at[1],
                    out_hbm.at[pl.ds((row0 + irow0 - _NSUB) * _SUB, _CH)],
                )

            cps_b = fire_gathers(1, irow0 + _NSUB)
            for cp in cps_a:
                cp.wait()

            pltpu.sync_copy(
                rows_v.at[0], out_hbm.at[pl.ds((row0 + irow0) * _SUB, _CH)]
            )
            for cp in cps_b:
                cp.wait()

        last_irow = row0 + (nchunks - 1) * _NSUB
        pltpu.sync_copy(rows_v.at[1], out_hbm.at[pl.ds(last_irow * _SUB, _CH)])

    return k(weight, idx2d)


def kernel(x, orig_weight, label_embedding, prompt_embedding):
    weight = jnp.concatenate(
        [orig_weight.reshape(-1), label_embedding.reshape(-1),
         prompt_embedding.reshape(-1)]
    ).reshape(-1, orig_weight.shape[-1])
    idx2d = x.reshape(-1, _SUB)
    out = _gather(weight, idx2d)
    return out.reshape(x.shape + (orig_weight.shape[-1],))

# --- scband reference (transcript-rebuilt; emitter-appended) ---
"""Pipeline reference for scband-prompt-embedding-67800353734883 (READ-ONLY COPY).

The authoritative reference and input builder live on the scoring server;
editing this copy changes nothing except your own understanding.
"""

import jax, jax.numpy as jnp
import numpy as np

VOCAB = 100000
EMBED_DIM = 64
NUM_LABELS = 104
NUM_PROMPTS = 100
BATCH = 16384
HIST_LEN = 50
PADDING_IDX = 0


def setup_inputs(seed: int = 0) -> dict:
    key = jax.random.key(seed)
    k1, k2, k3, k4 = jax.random.split(key, 4)
    x = jax.random.randint(k1, (BATCH, HIST_LEN), 0, VOCAB + NUM_LABELS + NUM_PROMPTS, dtype=jnp.int32)
    orig_weight = jax.random.normal(k2, (VOCAB, EMBED_DIM), dtype=jnp.float32) * 0.02
    label_embedding = jax.random.normal(k3, (NUM_LABELS, EMBED_DIM), dtype=jnp.float32) * 0.02
    prompt_embedding = jax.random.normal(k4, (NUM_PROMPTS, EMBED_DIM), dtype=jnp.float32) * 0.02
    return {
        "x": x,
        "orig_weight": orig_weight,
        "label_embedding": label_embedding,
        "prompt_embedding": prompt_embedding,
    }


def reference(x, orig_weight, label_embedding, prompt_embedding):
    # new_embedding = cat([zeros(1, d), label_embedding, prompt_embedding], dim=0)
    new_embedding = jnp.concatenate(
        [jnp.zeros((1, label_embedding.shape[-1]), dtype=label_embedding.dtype),
         label_embedding,
         prompt_embedding],
        axis=0,
    )
    # self.weight() = cat([original_embedding.weight, new_embedding[1:, :]], dim=0)
    weight = jnp.concatenate([orig_weight, new_embedding[1:, :]], axis=0)
    # F.embedding(x.long(), weight, padding_idx) -> gather rows (padding_idx only affects grads)
    y = jnp.take(weight, x, axis=0)
    return y

if __name__ == "__main__":
    import jax
    _d = setup_inputs()
    print(jax.jit(kernel)(*tuple(_d.values())))

</pallas_src>

<mosaic_0001>
#map = affine_map<(d0, d1) -> (0, 0)>
module attributes {stable_mosaic.version = 14 : i64} {
  func.func @k(%arg0: i32, %arg1: i32, %arg2: memref<100204x64xf32, #tpu.memory_space<hbm>>, %arg3: memref<6400x128xi32, #tpu.memory_space<hbm>>, %arg4: memref<819200x64xf32, #tpu.memory_space<hbm>>, %arg5: memref<200x128xi32, #tpu.memory_space<vmem>>, %arg6: memref<2x640x64xf32, #tpu.memory_space<vmem>>, %arg7: memref<!tpu.dma_semaphore, #tpu.memory_space<semaphore_mem>>) attributes {dimension_semantics = [#tpu.dimension_semantics<core_parallel>, #tpu.dimension_semantics<subcore_parallel>], iteration_bounds = array<i64: 2, 16>, scalar_prefetch = 0 : i64, scratch_operands = 3 : i64, tpu.core_type = #tpu.core_type<sc_vector_subcore>, window_params = [{transform_indices = #map}, {transform_indices = #map}, {transform_indices = #map}]} {
    %mul3A = arith.constant 2 : i32
    %mul3A_0 = arith.muli %arg1, %mul3A : i32
    %add3A = arith.addi %mul3A_0, %arg0 : i32
    %mul3A_1 = arith.constant 200 : i32
    %mul3A_2 = arith.muli %add3A, %mul3A_1 : i32
    "tpu.region"() ({
      %run_scoped3A_11 = tpu.sem_alloc : memref<!tpu.dma_semaphore, #tpu.memory_space<semaphore_mem>>
      %dma_start3A = arith.constant 0 : i32
      %dma_start3A_12 = tpu.memref_slice %arg3[%mul3A_2, %dma_start3A] : memref<6400x128xi32, #tpu.memory_space<hbm>> -> memref<200x128xi32, #tpu.memory_space<hbm>>
      %dma_start3A_13 = arith.constant 0 : i32
      %dma_start3A_14 = tpu.memref_slice %arg3[%mul3A_2, %dma_start3A_13] : memref<6400x128xi32, #tpu.memory_space<hbm>> -> memref<200x128xi32, #tpu.memory_space<hbm>>
      tpu.enqueue_dma source(%dma_start3A_14 : memref<200x128xi32, #tpu.memory_space<hbm>>) target(%arg5 : memref<200x128xi32, #tpu.memory_space<vmem>>) target_semaphore(%run_scoped3A_11 : memref<!tpu.dma_semaphore, #tpu.memory_space<semaphore_mem>>)
      %dma_wait3A = arith.constant 0 : i32
      %dma_wait3A_15 = tpu.memref_slice %arg3[%mul3A_2, %dma_wait3A] : memref<6400x128xi32, #tpu.memory_space<hbm>> -> memref<200x128xi32, #tpu.memory_space<hbm>>
      %dma_wait3A_16 = arith.constant 0 : i32
      %dma_wait3A_17 = tpu.memref_slice %arg3[%mul3A_2, %dma_wait3A_16] : memref<6400x128xi32, #tpu.memory_space<hbm>> -> memref<200x128xi32, #tpu.memory_space<hbm>>
      tpu.wait_dma2 semaphore(%run_scoped3A_11 : memref<!tpu.dma_semaphore, #tpu.memory_space<semaphore_mem>>) src(%dma_wait3A_17 : memref<200x128xi32, #tpu.memory_space<hbm>>) dst(%arg5 : memref<200x128xi32, #tpu.memory_space<vmem>>)
      tpu.yield
    }) : () -> ()
    %scan3A = arith.constant 0 : i32
    %scan3A_3 = arith.constant 20 : i32
    %scan3A_4 = arith.addi %scan3A, %scan3A_3 : i32
    %scan3A_5 = arith.constant 1 : i32
    scf.for %scan3A_11 = %scan3A to %scan3A_4 step %scan3A_5  : i32 {
      %mul3A_12 = arith.constant 1 : i32
      %mul3A_13 = arith.muli %scan3A_11, %mul3A_12 : i32
      %add3A_14 = arith.constant 0 : i32
      %add3A_15 = arith.addi %add3A_14, %mul3A_13 : i32
      %mul3A_16 = arith.constant 2 : i32
      %mul3A_17 = arith.muli %add3A_15, %mul3A_16 : i32
      %mul3A_18 = arith.constant 5 : i32
      %mul3A_19 = arith.muli %mul3A_17, %mul3A_18 : i32
      %add3A_20 = arith.constant 0 : i32
      %add3A_21 = arith.addi %mul3A_19, %add3A_20 : i32
      %dma_start3A = arith.constant 0 : i32
      %dma_start3A_22 = arith.constant 0 : i32
      %dma_start3A_23 = arith.constant 0 : i32
      %dma_start3A_24 = tpu.memref_slice %arg6[%dma_start3A, %dma_start3A_22, %dma_start3A_23] : memref<2x640x64xf32, #tpu.memory_space<vmem>> -> memref<1x128x64xf32, #tpu.memory_space<vmem>>
      %dma_start3A_25 = tpu.memref_squeeze %dma_start3A_24 : memref<1x128x64xf32, #tpu.memory_space<vmem>> -> memref<128x64xf32, #tpu.memory_space<vmem>>
      %dma_start3A_26 = arith.constant 0 : i32
      %dma_start3A_27 = tpu.memref_slice %arg5[%add3A_21, %dma_start3A_26] : memref<200x128xi32, #tpu.memory_space<vmem>> -> memref<1x128xi32, #tpu.memory_space<vmem>>
      %dma_start3A_28 = tpu.memref_squeeze %dma_start3A_27 : memref<1x128xi32, #tpu.memory_space<vmem>> -> memref<128xi32, #tpu.memory_space<vmem>>
      %dma_start3A_29 = arith.constant 0 : i32
      %dma_start3A_30 = arith.constant 0 : i32
      %dma_start3A_31 = tpu.memref_slice %arg2[%dma_start3A_29, %dma_start3A_30] : memref<100204x64xf32, #tpu.memory_space<hbm>> -> memref<100204x64xf32, #tpu.memory_space<hbm>>
      tpu.enqueue_indirect_dma source(%dma_start3A_31 : memref<100204x64xf32, #tpu.memory_space<hbm>>) target(%dma_start3A_25 : memref<128x64xf32, #tpu.memory_space<vmem>>) offsets(%dma_start3A_28 : memref<128xi32, #tpu.memory_space<vmem>>) semaphore(%arg7 : memref<!tpu.dma_semaphore, #tpu.memory_space<semaphore_mem>>)
      %add3A_32 = arith.constant 1 : i32
      %add3A_33 = arith.addi %mul3A_19, %add3A_32 : i32
      %dma_start3A_34 = arith.constant 0 : i32
      %dma_start3A_35 = arith.constant 128 : i32
      %dma_start3A_36 = arith.constant 0 : i32
      %dma_start3A_37 = tpu.memref_slice %arg6[%dma_start3A_34, %dma_start3A_35, %dma_start3A_36] : memref<2x640x64xf32, #tpu.memory_space<vmem>> -> memref<1x128x64xf32, #tpu.memory_space<vmem>>
      %dma_start3A_38 = tpu.memref_squeeze %dma_start3A_37 : memref<1x128x64xf32, #tpu.memory_space<vmem>> -> memref<128x64xf32, #tpu.memory_space<vmem>>
      %dma_start3A_39 = arith.constant 0 : i32
      %dma_start3A_40 = tpu.memref_slice %arg5[%add3A_33, %dma_start3A_39] : memref<200x128xi32, #tpu.memory_space<vmem>> -> memref<1x128xi32, #tpu.memory_space<vmem>>
      %dma_start3A_41 = tpu.memref_squeeze %dma_start3A_40 : memref<1x128xi32, #tpu.memory_space<vmem>> -> memref<128xi32, #tpu.memory_space<vmem>>
      %dma_start3A_42 = arith.constant 0 : i32
      %dma_start3A_43 = arith.constant 0 : i32
      %dma_start3A_44 = tpu.memref_slice %arg2[%dma_start3A_42, %dma_start3A_43] : memref<100204x64xf32, #tpu.memory_space<hbm>> -> memref<100204x64xf32, #tpu.memory_space<hbm>>
      tpu.enqueue_indirect_dma source(%dma_start3A_44 : memref<100204x64xf32, #tpu.memory_space<hbm>>) target(%dma_start3A_38 : memref<128x64xf32, #tpu.memory_space<vmem>>) offsets(%dma_start3A_41 : memref<128xi32, #tpu.memory_space<vmem>>) semaphore(%arg7 : memref<!tpu.dma_semaphore, #tpu.memory_space<semaphore_mem>>)
      %add3A_45 = arith.constant 2 : i32
      %add3A_46 = arith.addi %mul3A_19, %add3A_45 : i32
      %dma_start3A_47 = arith.constant 0 : i32
      %dma_start3A_48 = arith.constant 256 : i32
      %dma_start3A_49 = arith.constant 0 : i32
      %dma_start3A_50 = tpu.memref_slice %arg6[%dma_start3A_47, %dma_start3A_48, %dma_start3A_49] : memref<2x640x64xf32, #tpu.memory_space<vmem>> -> memref<1x128x64xf32, #tpu.memory_space<vmem>>
      %dma_start3A_51 = tpu.memref_squeeze %dma_start3A_50 : memref<1x128x64xf32, #tpu.memory_space<vmem>> -> memref<128x64xf32, #tpu.memory_space<vmem>>
      %dma_start3A_52 = arith.constant 0 : i32
      %dma_start3A_53 = tpu.memref_slice %arg5[%add3A_46, %dma_start3A_52] : memref<200x128xi32, #tpu.memory_space<vmem>> -> memref<1x128xi32, #tpu.memory_space<vmem>>
      %dma_start3A_54 = tpu.memref_squeeze %dma_start3A_53 : memref<1x128xi32, #tpu.memory_space<vmem>> -> memref<128xi32, #tpu.memory_space<vmem>>
      %dma_start3A_55 = arith.constant 0 : i32
      %dma_start3A_56 = arith.constant 0 : i32
      %dma_start3A_57 = tpu.memref_slice %arg2[%dma_start3A_55, %dma_start3A_56] : memref<100204x64xf32, #tpu.memory_space<hbm>> -> memref<100204x64xf32, #tpu.memory_space<hbm>>
      tpu.enqueue_indirect_dma source(%dma_start3A_57 : memref<100204x64xf32, #tpu.memory_space<hbm>>) target(%dma_start3A_51 : memref<128x64xf32, #tpu.memory_space<vmem>>) offsets(%dma_start3A_54 : memref<128xi32, #tpu.memory_space<vmem>>) semaphore(%arg7 : memref<!tpu.dma_semaphore, #tpu.memory_space<semaphore_mem>>)
      %add3A_58 = arith.constant 3 : i32
      %add3A_59 = arith.addi %mul3A_19, %add3A_58 : i32
      %dma_start3A_60 = arith.constant 0 : i32
      %dma_start3A_61 = arith.constant 384 : i32
      %dma_start3A_62 = arith.constant 0 : i32
      %dma_start3A_63 = tpu.memref_slice %arg6[%dma_start3A_60, %dma_start3A_61, %dma_start3A_62] : memref<2x640x64xf32, #tpu.memory_space<vmem>> -> memref<1x128x64xf32, #tpu.memory_space<vmem>>
      %dma_start3A_64 = tpu.memref_squeeze %dma_start3A_63 : memref<1x128x64xf32, #tpu.memory_space<vmem>> -> memref<128x64xf32, #tpu.memory_space<vmem>>
      %dma_start3A_65 = arith.constant 0 : i32
      %dma_start3A_66 = tpu.memref_slice %arg5[%add3A_59, %dma_start3A_65] : memref<200x128xi32, #tpu.memory_space<vmem>> -> memref<1x128xi32, #tpu.memory_space<vmem>>
      %dma_start3A_67 = tpu.memref_squeeze %dma_start3A_66 : memref<1x128xi32, #tpu.memory_space<vmem>> -> memref<128xi32, #tpu.memory_space<vmem>>
      %dma_start3A_68 = arith.constant 0 : i32
      %dma_start3A_69 = arith.constant 0 : i32
      %dma_start3A_70 = tpu.memref_slice %arg2[%dma_start3A_68, %dma_start3A_69] : memref<100204x64xf32, #tpu.memory_space<hbm>> -> memref<100204x64xf32, #tpu.memory_space<hbm>>
      tpu.enqueue_indirect_dma source(%dma_start3A_70 : memref<100204x64xf32, #tpu.memory_space<hbm>>) target(%dma_start3A_64 : memref<128x64xf32, #tpu.memory_space<vmem>>) offsets(%dma_start3A_67 : memref<128xi32, #tpu.memory_space<vmem>>) semaphore(%arg7 : memref<!tpu.dma_semaphore, #tpu.memory_space<semaphore_mem>>)
      %add3A_71 = arith.constant 4 : i32
      %add3A_72 = arith.addi %mul3A_19, %add3A_71 : i32
      %dma_start3A_73 = arith.constant 0 : i32
      %dma_start3A_74 = arith.constant 512 : i32
      %dma_start3A_75 = arith.constant 0 : i32
      %dma_start3A_76 = tpu.memref_slice %arg6[%dma_start3A_73, %dma_start3A_74, %dma_start3A_75] : memref<2x640x64xf32, #tpu.memory_space<vmem>> -> memref<1x128x64xf32, #tpu.memory_space<vmem>>
      %dma_start3A_77 = tpu.memref_squeeze %dma_start3A_76 : memref<1x128x64xf32, #tpu.memory_space<vmem>> -> memref<128x64xf32, #tpu.memory_space<vmem>>
      %dma_start3A_78 = arith.constant 0 : i32
      %dma_start3A_79 = tpu.memref_slice %arg5[%add3A_72, %dma_start3A_78] : memref<200x128xi32, #tpu.memory_space<vmem>> -> memref<1x128xi32, #tpu.memory_space<vmem>>
      %dma_start3A_80 = tpu.memref_squeeze %dma_start3A_79 : memref<1x128xi32, #tpu.memory_space<vmem>> -> memref<128xi32, #tpu.memory_space<vmem>>
      %dma_start3A_81 = arith.constant 0 : i32
      %dma_start3A_82 = arith.constant 0 : i32
      %dma_start3A_83 = tpu.memref_slice %arg2[%dma_start3A_81, %dma_start3A_82] : memref<100204x64xf32, #tpu.memory_space<hbm>> -> memref<100204x64xf32, #tpu.memory_space<hbm>>
      tpu.enqueue_indirect_dma source(%dma_start3A_83 : memref<100204x64xf32, #tpu.memory_space<hbm>>) target(%dma_start3A_77 : memref<128x64xf32, #tpu.memory_space<vmem>>) offsets(%dma_start3A_80 : memref<128xi32, #tpu.memory_space<vmem>>) semaphore(%arg7 : memref<!tpu.dma_semaphore, #tpu.memory_space<semaphore_mem>>)
      %gt3A = arith.constant 0 : i32
      %gt3A_84 = arith.cmpi sgt, %add3A_15, %gt3A : i32
      %convert_element_type3A = arith.extui %gt3A_84 : i1 to i32
      %cond3A = arith.constant 0 : i32
      %cond3A_85 = arith.cmpi ne, %convert_element_type3A, %cond3A : i32
      scf.if %cond3A_85 {
        %add3A_266 = arith.addi %mul3A_2, %mul3A_19 : i32
        %sub3A = arith.constant 5 : i32
        %sub3A_267 = arith.subi %add3A_266, %sub3A : i32
        %mul3A_268 = arith.constant 128 : i32
        %mul3A_269 = arith.muli %sub3A_267, %mul3A_268 : i32
        %run_scoped3A_270 = arith.constant 1 : i32
        "tpu.region"() ({
          %run_scoped3A_271 = tpu.sem_alloc : memref<!tpu.dma_semaphore, #tpu.memory_space<semaphore_mem>>
          %dma_start3A_272 = arith.constant 0 : i32
          %dma_start3A_273 = arith.constant 0 : i32
          %dma_start3A_274 = tpu.memref_slice %arg6[%run_scoped3A_270, %dma_start3A_272, %dma_start3A_273] : memref<2x640x64xf32, #tpu.memory_space<vmem>> -> memref<1x640x64xf32, #tpu.memory_space<vmem>>
          %dma_start3A_275 = tpu.memref_squeeze %dma_start3A_274 : memref<1x640x64xf32, #tpu.memory_space<vmem>> -> memref<640x64xf32, #tpu.memory_space<vmem>>
          %dma_start3A_276 = arith.constant 0 : i32
          %dma_start3A_277 = tpu.memref_slice %arg4[%mul3A_269, %dma_start3A_276] : memref<819200x64xf32, #tpu.memory_space<hbm>> -> memref<640x64xf32, #tpu.memory_space<hbm>>
          %dma_start3A_278 = arith.constant 0 : i32
          %dma_start3A_279 = tpu.memref_slice %arg4[%mul3A_269, %dma_start3A_278] : memref<819200x64xf32, #tpu.memory_space<hbm>> -> memref<640x64xf32, #tpu.memory_space<hbm>>
          %dma_start3A_280 = arith.constant 0 : i32
          %dma_start3A_281 = arith.constant 0 : i32
          %dma_start3A_282 = tpu.memref_slice %arg6[%run_scoped3A_270, %dma_start3A_280, %dma_start3A_281] : memref<2x640x64xf32, #tpu.memory_space<vmem>> -> memref<1x640x64xf32, #tpu.memory_space<vmem>>
          %dma_start3A_283 = tpu.memref_squeeze %dma_start3A_282 : memref<1x640x64xf32, #tpu.memory_space<vmem>> -> memref<640x64xf32, #tpu.memory_space<vmem>>
          tpu.enqueue_dma source(%dma_start3A_283 : memref<640x64xf32, #tpu.memory_space<vmem>>) target(%dma_start3A_279 : memref<640x64xf32, #tpu.memory_space<hbm>>) target_semaphore(%run_scoped3A_271 : memref<!tpu.dma_semaphore, #tpu.memory_space<semaphore_mem>>)
          %dma_wait3A_284 = arith.constant 0 : i32
          %dma_wait3A_285 = arith.constant 0 : i32
          %dma_wait3A_286 = tpu.memref_slice %arg6[%run_scoped3A_270, %dma_wait3A_284, %dma_wait3A_285] : memref<2x640x64xf32, #tpu.memory_space<vmem>> -> memref<1x640x64xf32, #tpu.memory_space<vmem>>
          %dma_wait3A_287 = tpu.memref_squeeze %dma_wait3A_286 : memref<1x640x64xf32, #tpu.memory_space<vmem>> -> memref<640x64xf32, #tpu.memory_space<vmem>>
          %dma_wait3A_288 = arith.constant 0 : i32
          %dma_wait3A_289 = tpu.memref_slice %arg4[%mul3A_269, %dma_wait3A_288] : memref<819200x64xf32, #tpu.memory_space<hbm>> -> memref<640x64xf32, #tpu.memory_space<hbm>>
          %dma_wait3A_290 = arith.constant 0 : i32
          %dma_wait3A_291 = tpu.memref_slice %arg4[%mul3A_269, %dma_wait3A_290] : memref<819200x64xf32, #tpu.memory_space<hbm>> -> memref<640x64xf32, #tpu.memory_space<hbm>>
          %dma_wait3A_292 = arith.constant 0 : i32
          %dma_wait3A_293 = arith.constant 0 : i32
          %dma_wait3A_294 = tpu.memref_slice %arg6[%run_scoped3A_270, %dma_wait3A_292, %dma_wait3A_293] : memref<2x640x64xf32, #tpu.memory_space<vmem>> -> memref<1x640x64xf32, #tpu.memory_space<vmem>>
          %dma_wait3A_295 = tpu.memref_squeeze %dma_wait3A_294 : memref<1x640x64xf32, #tpu.memory_space<vmem>> -> memref<640x64xf32, #tpu.memory_space<vmem>>
          tpu.wait_dma2 semaphore(%run_scoped3A_271 : memref<!tpu.dma_semaphore, #tpu.memory_space<semaphore_mem>>) src(%dma_wait3A_295 : memref<640x64xf32, #tpu.memory_space<vmem>>) dst(%dma_wait3A_291 : memref<640x64xf32, #tpu.memory_space<hbm>>)
          tpu.yield
        }) : () -> ()
      } else {
      }
      %add3A_86 = arith.constant 5 : i32
      %add3A_87 = arith.addi %mul3A_19, %add3A_86 : i32
      %add3A_88 = arith.constant 0 : i32
      %add3A_89 = arith.addi %add3A_87, %add3A_88 : i32
      %dma_start3A_90 = arith.constant 1 : i32
      %dma_start3A_91 = arith.constant 0 : i32
      %dma_start3A_92 = arith.constant 0 : i32
      %dma_start3A_93 = tpu.memref_slice %arg6[%dma_start3A_90, %dma_start3A_91, %dma_start3A_92] : memref<2x640x64xf32, #tpu.memory_space<vmem>> -> memref<1x128x64xf32, #tpu.memory_space<vmem>>
      %dma_start3A_94 = tpu.memref_squeeze %dma_start3A_93 : memref<1x128x64xf32, #tpu.memory_space<vmem>> -> memref<128x64xf32, #tpu.memory_space<vmem>>
      %dma_start3A_95 = arith.constant 0 : i32
      %dma_start3A_96 = tpu.memref_slice %arg5[%add3A_89, %dma_start3A_95] : memref<200x128xi32, #tpu.memory_space<vmem>> -> memref<1x128xi32, #tpu.memory_space<vmem>>
      %dma_start3A_97 = tpu.memref_squeeze %dma_start3A_96 : memref<1x128xi32, #tpu.memory_space<vmem>> -> memref<128xi32, #tpu.memory_space<vmem>>
      %dma_start3A_98 = arith.constant 0 : i32
      %dma_start3A_99 = arith.constant 0 : i32
      %dma_start3A_100 = tpu.memref_slice %arg2[%dma_start3A_98, %dma_start3A_99] : memref<100204x64xf32, #tpu.memory_space<hbm>> -> memref<100204x64xf32, #tpu.memory_space<hbm>>
      tpu.enqueue_indirect_dma source(%dma_start3A_100 : memref<100204x64xf32, #tpu.memory_space<hbm>>) target(%dma_start3A_94 : memref<128x64xf32, #tpu.memory_space<vmem>>) offsets(%dma_start3A_97 : memref<128xi32, #tpu.memory_space<vmem>>) semaphore(%arg7 : memref<!tpu.dma_semaphore, #tpu.memory_space<semaphore_mem>>)
      %add3A_101 = arith.constant 1 : i32
      %add3A_102 = arith.addi %add3A_87, %add3A_101 : i32
      %dma_start3A_103 = arith.constant 1 : i32
      %dma_start3A_104 = arith.constant 128 : i32
      %dma_start3A_105 = arith.constant 0 : i32
      %dma_start3A_106 = tpu.memref_slice %arg6[%dma_start3A_103, %dma_start3A_104, %dma_start3A_105] : memref<2x640x64xf32, #tpu.memory_space<vmem>> -> memref<1x128x64xf32, #tpu.memory_space<vmem>>
      %dma_start3A_107 = tpu.memref_squeeze %dma_start3A_106 : memref<1x128x64xf32, #tpu.memory_space<vmem>> -> memref<128x64xf32, #tpu.memory_space<vmem>>
      %dma_start3A_108 = arith.constant 0 : i32
      %dma_start3A_109 = tpu.memref_slice %arg5[%add3A_102, %dma_start3A_108] : memref<200x128xi32, #tpu.memory_space<vmem>> -> memref<1x128xi32, #tpu.memory_space<vmem>>
      %dma_start3A_110 = tpu.memref_squeeze %dma_start3A_109 : memref<1x128xi32, #tpu.memory_space<vmem>> -> memref<128xi32, #tpu.memory_space<vmem>>
      %dma_start3A_111 = arith.constant 0 : i32
      %dma_start3A_112 = arith.constant 0 : i32
      %dma_start3A_113 = tpu.memref_slice %arg2[%dma_start3A_111, %dma_start3A_112] : memref<100204x64xf32, #tpu.memory_space<hbm>> -> memref<100204x64xf32, #tpu.memory_space<hbm>>
      tpu.enqueue_indirect_dma source(%dma_start3A_113 : memref<100204x64xf32, #tpu.memory_space<hbm>>) target(%dma_start3A_107 : memref<128x64xf32, #tpu.memory_space<vmem>>) offsets(%dma_start3A_110 : memref<128xi32, #tpu.memory_space<vmem>>) semaphore(%arg7 : memref<!tpu.dma_semaphore, #tpu.memory_space<semaphore_mem>>)
      %add3A_114 = arith.constant 2 : i32
      %add3A_115 = arith.addi %add3A_87, %add3A_114 : i32
      %dma_start3A_116 = arith.constant 1 : i32
      %dma_start3A_117 = arith.constant 256 : i32
      %dma_start3A_118 = arith.constant 0 : i32
      %dma_start3A_119 = tpu.memref_slice %arg6[%dma_start3A_116, %dma_start3A_117, %dma_start3A_118] : memref<2x640x64xf32, #tpu.memory_space<vmem>> -> memref<1x128x64xf32, #tpu.memory_space<vmem>>
      %dma_start3A_120 = tpu.memref_squeeze %dma_start3A_119 : memref<1x128x64xf32, #tpu.memory_space<vmem>> -> memref<128x64xf32, #tpu.memory_space<vmem>>
      %dma_start3A_121 = arith.constant 0 : i32
      %dma_start3A_122 = tpu.memref_slice %arg5[%add3A_115, %dma_start3A_121] : memref<200x128xi32, #tpu.memory_space<vmem>> -> memref<1x128xi32, #tpu.memory_space<vmem>>
      %dma_start3A_123 = tpu.memref_squeeze %dma_start3A_122 : memref<1x128xi32, #tpu.memory_space<vmem>> -> memref<128xi32, #tpu.memory_space<vmem>>
      %dma_start3A_124 = arith.constant 0 : i32
      %dma_start3A_125 = arith.constant 0 : i32
      %dma_start3A_126 = tpu.memref_slice %arg2[%dma_start3A_124, %dma_start3A_125] : memref<100204x64xf32, #tpu.memory_space<hbm>> -> memref<100204x64xf32, #tpu.memory_space<hbm>>
      tpu.enqueue_indirect_dma source(%dma_start3A_126 : memref<100204x64xf32, #tpu.memory_space<hbm>>) target(%dma_start3A_120 : memref<128x64xf32, #tpu.memory_space<vmem>>) offsets(%dma_start3A_123 : memref<128xi32, #tpu.memory_space<vmem>>) semaphore(%arg7 : memref<!tpu.dma_semaphore, #tpu.memory_space<semaphore_mem>>)
      %add3A_127 = arith.constant 3 : i32
      %add3A_128 = arith.addi %add3A_87, %add3A_127 : i32
      %dma_start3A_129 = arith.constant 1 : i32
      %dma_start3A_130 = arith.constant 384 : i32
      %dma_start3A_131 = arith.constant 0 : i32
      %dma_start3A_132 = tpu.memref_slice %arg6[%dma_start3A_129, %dma_start3A_130, %dma_start3A_131] : memref<2x640x64xf32, #tpu.memory_space<vmem>> -> memref<1x128x64xf32, #tpu.memory_space<vmem>>
      %dma_start3A_133 = tpu.memref_squeeze %dma_start3A_132 : memref<1x128x64xf32, #tpu.memory_space<vmem>> -> memref<128x64xf32, #tpu.memory_space<vmem>>
      %dma_start3A_134 = arith.constant 0 : i32
      %dma_start3A_135 = tpu.memref_slice %arg5[%add3A_128, %dma_start3A_134] : memref<200x128xi32, #tpu.memory_space<vmem>> -> memref<1x128xi32, #tpu.memory_space<vmem>>
      %dma_start3A_136 = tpu.memref_squeeze %dma_start3A_135 : memref<1x128xi32, #tpu.memory_space<vmem>> -> memref<128xi32, #tpu.memory_space<vmem>>
      %dma_start3A_137 = arith.constant 0 : i32
      %dma_start3A_138 = arith.constant 0 : i32
      %dma_start3A_139 = tpu.memref_slice %arg2[%dma_start3A_137, %dma_start3A_138] : memref<100204x64xf32, #tpu.memory_space<hbm>> -> memref<100204x64xf32, #tpu.memory_space<hbm>>
      tpu.enqueue_indirect_dma source(%dma_start3A_139 : memref<100204x64xf32, #tpu.memory_space<hbm>>) target(%dma_start3A_133 : memref<128x64xf32, #tpu.memory_space<vmem>>) offsets(%dma_start3A_136 : memref<128xi32, #tpu.memory_space<vmem>>) semaphore(%arg7 : memref<!tpu.dma_semaphore, #tpu.memory_space<semaphore_mem>>)
      %add3A_140 = arith.constant 4 : i32
      %add3A_141 = arith.addi %add3A_87, %add3A_140 : i32
      %dma_start3A_142 = arith.constant 1 : i32
      %dma_start3A_143 = arith.constant 512 : i32
      %dma_start3A_144 = arith.constant 0 : i32
      %dma_start3A_145 = tpu.memref_slice %arg6[%dma_start3A_142, %dma_start3A_143, %dma_start3A_144] : memref<2x640x64xf32, #tpu.memory_space<vmem>> -> memref<1x128x64xf32, #tpu.memory_space<vmem>>
      %dma_start3A_146 = tpu.memref_squeeze %dma_start3A_145 : memref<1x128x64xf32, #tpu.memory_space<vmem>> -> memref<128x64xf32, #tpu.memory_space<vmem>>
      %dma_start3A_147 = arith.constant 0 : i32
      %dma_start3A_148 = tpu.memref_slice %arg5[%add3A_141, %dma_start3A_147] : memref<200x128xi32, #tpu.memory_space<vmem>> -> memref<1x128xi32, #tpu.memory_space<vmem>>
      %dma_start3A_149 = tpu.memref_squeeze %dma_start3A_148 : memref<1x128xi32, #tpu.memory_space<vmem>> -> memref<128xi32, #tpu.memory_space<vmem>>
      %dma_start3A_150 = arith.constant 0 : i32
      %dma_start3A_151 = arith.constant 0 : i32
      %dma_start3A_152 = tpu.memref_slice %arg2[%dma_start3A_150, %dma_start3A_151] : memref<100204x64xf32, #tpu.memory_space<hbm>> -> memref<100204x64xf32, #tpu.memory_space<hbm>>
      tpu.enqueue_indirect_dma source(%dma_start3A_152 : memref<100204x64xf32, #tpu.memory_space<hbm>>) target(%dma_start3A_146 : memref<128x64xf32, #tpu.memory_space<vmem>>) offsets(%dma_start3A_149 : memref<128xi32, #tpu.memory_space<vmem>>) semaphore(%arg7 : memref<!tpu.dma_semaphore, #tpu.memory_space<semaphore_mem>>)
      %dma_wait3A = arith.constant 0 : i32
      %dma_wait3A_153 = arith.constant 0 : i32
      %dma_wait3A_154 = arith.constant 0 : i32
      %dma_wait3A_155 = tpu.memref_slice %arg6[%dma_wait3A, %dma_wait3A_153, %dma_wait3A_154] : memref<2x640x64xf32, #tpu.memory_space<vmem>> -> memref<1x128x64xf32, #tpu.memory_space<vmem>>
      %dma_wait3A_156 = tpu.memref_squeeze %dma_wait3A_155 : memref<1x128x64xf32, #tpu.memory_space<vmem>> -> memref<128x64xf32, #tpu.memory_space<vmem>>
      %dma_wait3A_157 = arith.constant 0 : i32
      %dma_wait3A_158 = tpu.memref_slice %arg5[%add3A_21, %dma_wait3A_157] : memref<200x128xi32, #tpu.memory_space<vmem>> -> memref<1x128xi32, #tpu.memory_space<vmem>>
      %dma_wait3A_159 = tpu.memref_squeeze %dma_wait3A_158 : memref<1x128xi32, #tpu.memory_space<vmem>> -> memref<128xi32, #tpu.memory_space<vmem>>
      %dma_wait3A_160 = arith.constant 0 : i32
      %dma_wait3A_161 = arith.constant 0 : i32
      %dma_wait3A_162 = tpu.memref_slice %arg2[%dma_wait3A_160, %dma_wait3A_161] : memref<100204x64xf32, #tpu.memory_space<hbm>> -> memref<100204x64xf32, #tpu.memory_space<hbm>>
      tpu.wait_indirect_dma semaphore(%arg7 : memref<!tpu.dma_semaphore, #tpu.memory_space<semaphore_mem>>) src(%dma_wait3A_162 : memref<100204x64xf32, #tpu.memory_space<hbm>>) dst(%dma_wait3A_156 : memref<128x64xf32, #tpu.memory_space<vmem>>)
      %dma_wait3A_163 = arith.constant 0 : i32
      %dma_wait3A_164 = arith.constant 128 : i32
      %dma_wait3A_165 = arith.constant 0 : i32
      %dma_wait3A_166 = tpu.memref_slice %arg6[%dma_wait3A_163, %dma_wait3A_164, %dma_wait3A_165] : memref<2x640x64xf32, #tpu.memory_space<vmem>> -> memref<1x128x64xf32, #tpu.memory_space<vmem>>
      %dma_wait3A_167 = tpu.memref_squeeze %dma_wait3A_166 : memref<1x128x64xf32, #tpu.memory_space<vmem>> -> memref<128x64xf32, #tpu.memory_space<vmem>>
      %dma_wait3A_168 = arith.constant 0 : i32
      %dma_wait3A_169 = tpu.memref_slice %arg5[%add3A_33, %dma_wait3A_168] : memref<200x128xi32, #tpu.memory_space<vmem>> -> memref<1x128xi32, #tpu.memory_space<vmem>>
      %dma_wait3A_170 = tpu.memref_squeeze %dma_wait3A_169 : memref<1x128xi32, #tpu.memory_space<vmem>> -> memref<128xi32, #tpu.memory_space<vmem>>
      %dma_wait3A_171 = arith.constant 0 : i32
      %dma_wait3A_172 = arith.constant 0 : i32
      %dma_wait3A_173 = tpu.memref_slice %arg2[%dma_wait3A_171, %dma_wait3A_172] : memref<100204x64xf32, #tpu.memory_space<hbm>> -> memref<100204x64xf32, #tpu.memory_space<hbm>>
      tpu.wait_indirect_dma semaphore(%arg7 : memref<!tpu.dma_semaphore, #tpu.memory_space<semaphore_mem>>) src(%dma_wait3A_173 : memref<100204x64xf32, #tpu.memory_space<hbm>>) dst(%dma_wait3A_167 : memref<128x64xf32, #tpu.memory_space<vmem>>)
      %dma_wait3A_174 = arith.constant 0 : i32
      %dma_wait3A_175 = arith.constant 256 : i32
      %dma_wait3A_176 = arith.constant 0 : i32
      %dma_wait3A_177 = tpu.memref_slice %arg6[%dma_wait3A_174, %dma_wait3A_175, %dma_wait3A_176] : memref<2x640x64xf32, #tpu.memory_space<vmem>> -> memref<1x128x64xf32, #tpu.memory_space<vmem>>
      %dma_wait3A_178 = tpu.memref_squeeze %dma_wait3A_177 : memref<1x128x64xf32, #tpu.memory_space<vmem>> -> memref<128x64xf32, #tpu.memory_space<vmem>>
      %dma_wait3A_179 = arith.constant 0 : i32
      %dma_wait3A_180 = tpu.memref_slice %arg5[%add3A_46, %dma_wait3A_179] : memref<200x128xi32, #tpu.memory_space<vmem>> -> memref<1x128xi32, #tpu.memory_space<vmem>>
      %dma_wait3A_181 = tpu.memref_squeeze %dma_wait3A_180 : memref<1x128xi32, #tpu.memory_space<vmem>> -> memref<128xi32, #tpu.memory_space<vmem>>
      %dma_wait3A_182 = arith.constant 0 : i32
      %dma_wait3A_183 = arith.constant 0 : i32
      %dma_wait3A_184 = tpu.memref_slice %arg2[%dma_wait3A_182, %dma_wait3A_183] : memref<100204x64xf32, #tpu.memory_space<hbm>> -> memref<100204x64xf32, #tpu.memory_space<hbm>>
      tpu.wait_indirect_dma semaphore(%arg7 : memref<!tpu.dma_semaphore, #tpu.memory_space<semaphore_mem>>) src(%dma_wait3A_184 : memref<100204x64xf32, #tpu.memory_space<hbm>>) dst(%dma_wait3A_178 : memref<128x64xf32, #tpu.memory_space<vmem>>)
      %dma_wait3A_185 = arith.constant 0 : i32
      %dma_wait3A_186 = arith.constant 384 : i32
      %dma_wait3A_187 = arith.constant 0 : i32
      %dma_wait3A_188 = tpu.memref_slice %arg6[%dma_wait3A_185, %dma_wait3A_186, %dma_wait3A_187] : memref<2x640x64xf32, #tpu.memory_space<vmem>> -> memref<1x128x64xf32, #tpu.memory_space<vmem>>
      %dma_wait3A_189 = tpu.memref_squeeze %dma_wait3A_188 : memref<1x128x64xf32, #tpu.memory_space<vmem>> -> memref<128x64xf32, #tpu.memory_space<vmem>>
      %dma_wait3A_190 = arith.constant 0 : i32
      %dma_wait3A_191 = tpu.memref_slice %arg5[%add3A_59, %dma_wait3A_190] : memref<200x128xi32, #tpu.memory_space<vmem>> -> memref<1x128xi32, #tpu.memory_space<vmem>>
      %dma_wait3A_192 = tpu.memref_squeeze %dma_wait3A_191 : memref<1x128xi32, #tpu.memory_space<vmem>> -> memref<128xi32, #tpu.memory_space<vmem>>
      %dma_wait3A_193 = arith.constant 0 : i32
      %dma_wait3A_194 = arith.constant 0 : i32
      %dma_wait3A_195 = tpu.memref_slice %arg2[%dma_wait3A_193, %dma_wait3A_194] : memref<100204x64xf32, #tpu.memory_space<hbm>> -> memref<100204x64xf32, #tpu.memory_space<hbm>>
      tpu.wait_indirect_dma semaphore(%arg7 : memref<!tpu.dma_semaphore, #tpu.memory_space<semaphore_mem>>) src(%dma_wait3A_195 : memref<100204x64xf32, #tpu.memory_space<hbm>>) dst(%dma_wait3A_189 : memref<128x64xf32, #tpu.memory_space<vmem>>)
      %dma_wait3A_196 = arith.constant 0 : i32
      %dma_wait3A_197 = arith.constant 512 : i32
      %dma_wait3A_198 = arith.constant 0 : i32
      %dma_wait3A_199 = tpu.memref_slice %arg6[%dma_wait3A_196, %dma_wait3A_197, %dma_wait3A_198] : memref<2x640x64xf32, #tpu.memory_space<vmem>> -> memref<1x128x64xf32, #tpu.memory_space<vmem>>
      %dma_wait3A_200 = tpu.memref_squeeze %dma_wait3A_199 : memref<1x128x64xf32, #tpu.memory_space<vmem>> -> memref<128x64xf32, #tpu.memory_space<vmem>>
      %dma_wait3A_201 = arith.constant 0 : i32
      %dma_wait3A_202 = tpu.memref_slice %arg5[%add3A_72, %dma_wait3A_201] : memref<200x128xi32, #tpu.memory_space<vmem>> -> memref<1x128xi32, #tpu.memory_space<vmem>>
      %dma_wait3A_203 = tpu.memref_squeeze %dma_wait3A_202 : memref<1x128xi32, #tpu.memory_space<vmem>> -> memref<128xi32, #tpu.memory_space<vmem>>
      %dma_wait3A_204 = arith.constant 0 : i32
      %dma_wait3A_205 = arith.constant 0 : i32
      %dma_wait3A_206 = tpu.memref_slice %arg2[%dma_wait3A_204, %dma_wait3A_205] : memref<100204x64xf32, #tpu.memory_space<hbm>> -> memref<100204x64xf32, #tpu.memory_space<hbm>>
      tpu.wait_indirect_dma semaphore(%arg7 : memref<!tpu.dma_semaphore, #tpu.memory_space<semaphore_mem>>) src(%dma_wait3A_206 : memref<100204x64xf32, #tpu.memory_space<hbm>>) dst(%dma_wait3A_200 : memref<128x64xf32, #tpu.memory_space<vmem>>)
      %add3A_207 = arith.addi %mul3A_2, %mul3A_19 : i32
      %mul3A_208 = arith.constant 128 : i32
      %mul3A_209 = arith.muli %add3A_207, %mul3A_208 : i32
      %run_scoped3A_210 = arith.constant 0 : i32
      "tpu.region"() ({
        %run_scoped3A_266 = tpu.sem_alloc : memref<!tpu.dma_semaphore, #tpu.memory_space<semaphore_mem>>
        %dma_start3A_267 = arith.constant 0 : i32
        %dma_start3A_268 = arith.constant 0 : i32
        %dma_start3A_269 = tpu.memref_slice %arg6[%run_scoped3A_210, %dma_start3A_267, %dma_start3A_268] : memref<2x640x64xf32, #tpu.memory_space<vmem>> -> memref<1x640x64xf32, #tpu.memory_space<vmem>>
        %dma_start3A_270 = tpu.memref_squeeze %dma_start3A_269 : memref<1x640x64xf32, #tpu.memory_space<vmem>> -> memref<640x64xf32, #tpu.memory_space<vmem>>
        %dma_start3A_271 = arith.constant 0 : i32
        %dma_start3A_272 = tpu.memref_slice %arg4[%mul3A_209, %dma_start3A_271] : memref<819200x64xf32, #tpu.memory_space<hbm>> -> memref<640x64xf32, #tpu.memory_space<hbm>>
        %dma_start3A_273 = arith.constant 0 : i32
        %dma_start3A_274 = tpu.memref_slice %arg4[%mul3A_209, %dma_start3A_273] : memref<819200x64xf32, #tpu.memory_space<hbm>> -> memref<640x64xf32, #tpu.memory_space<hbm>>
        %dma_start3A_275 = arith.constant 0 : i32
        %dma_start3A_276 = arith.constant 0 : i32
        %dma_start3A_277 = tpu.memref_slice %arg6[%run_scoped3A_210, %dma_start3A_275, %dma_start3A_276] : memref<2x640x64xf32, #tpu.memory_space<vmem>> -> memref<1x640x64xf32, #tpu.memory_space<vmem>>
        %dma_start3A_278 = tpu.memref_squeeze %dma_start3A_277 : memref<1x640x64xf32, #tpu.memory_space<vmem>> -> memref<640x64xf32, #tpu.memory_space<vmem>>
        tpu.enqueue_dma source(%dma_start3A_278 : memref<640x64xf32, #tpu.memory_space<vmem>>) target(%dma_start3A_274 : memref<640x64xf32, #tpu.memory_space<hbm>>) target_semaphore(%run_scoped3A_266 : memref<!tpu.dma_semaphore, #tpu.memory_space<semaphore_mem>>)
        %dma_wait3A_279 = arith.constant 0 : i32
        %dma_wait3A_280 = arith.constant 0 : i32
        %dma_wait3A_281 = tpu.memref_slice %arg6[%run_scoped3A_210, %dma_wait3A_279, %dma_wait3A_280] : memref<2x640x64xf32, #tpu.memory_space<vmem>> -> memref<1x640x64xf32, #tpu.memory_space<vmem>>
        %dma_wait3A_282 = tpu.memref_squeeze %dma_wait3A_281 : memref<1x640x64xf32, #tpu.memory_space<vmem>> -> memref<640x64xf32, #tpu.memory_space<vmem>>
        %dma_wait3A_283 = arith.constant 0 : i32
        %dma_wait3A_284 = tpu.memref_slice %arg4[%mul3A_209, %dma_wait3A_283] : memref<819200x64xf32, #tpu.memory_space<hbm>> -> memref<640x64xf32, #tpu.memory_space<hbm>>
        %dma_wait3A_285 = arith.constant 0 : i32
        %dma_wait3A_286 = tpu.memref_slice %arg4[%mul3A_209, %dma_wait3A_285] : memref<819200x64xf32, #tpu.memory_space<hbm>> -> memref<640x64xf32, #tpu.memory_space<hbm>>
        %dma_wait3A_287 = arith.constant 0 : i32
        %dma_wait3A_288 = arith.constant 0 : i32
        %dma_wait3A_289 = tpu.memref_slice %arg6[%run_scoped3A_210, %dma_wait3A_287, %dma_wait3A_288] : memref<2x640x64xf32, #tpu.memory_space<vmem>> -> memref<1x640x64xf32, #tpu.memory_space<vmem>>
        %dma_wait3A_290 = tpu.memref_squeeze %dma_wait3A_289 : memref<1x640x64xf32, #tpu.memory_space<vmem>> -> memref<640x64xf32, #tpu.memory_space<vmem>>
        tpu.wait_dma2 semaphore(%run_scoped3A_266 : memref<!tpu.dma_semaphore, #tpu.memory_space<semaphore_mem>>) src(%dma_wait3A_290 : memref<640x64xf32, #tpu.memory_space<vmem>>) dst(%dma_wait3A_286 : memref<640x64xf32, #tpu.memory_space<hbm>>)
        tpu.yield
      }) : () -> ()
      %dma_wait3A_211 = arith.constant 1 : i32
      %dma_wait3A_212 = arith.constant 0 : i32
      %dma_wait3A_213 = arith.constant 0 : i32
      %dma_wait3A_214 = tpu.memref_slice %arg6[%dma_wait3A_211, %dma_wait3A_212, %dma_wait3A_213] : memref<2x640x64xf32, #tpu.memory_space<vmem>> -> memref<1x128x64xf32, #tpu.memory_space<vmem>>
      %dma_wait3A_215 = tpu.memref_squeeze %dma_wait3A_214 : memref<1x128x64xf32, #tpu.memory_space<vmem>> -> memref<128x64xf32, #tpu.memory_space<vmem>>
      %dma_wait3A_216 = arith.constant 0 : i32
      %dma_wait3A_217 = tpu.memref_slice %arg5[%add3A_89, %dma_wait3A_216] : memref<200x128xi32, #tpu.memory_space<vmem>> -> memref<1x128xi32, #tpu.memory_space<vmem>>
      %dma_wait3A_218 = tpu.memref_squeeze %dma_wait3A_217 : memref<1x128xi32, #tpu.memory_space<vmem>> -> memref<128xi32, #tpu.memory_space<vmem>>
      %dma_wait3A_219 = arith.constant 0 : i32
      %dma_wait3A_220 = arith.constant 0 : i32
      %dma_wait3A_221 = tpu.memref_slice %arg2[%dma_wait3A_219, %dma_wait3A_220] : memref<100204x64xf32, #tpu.memory_space<hbm>> -> memref<100204x64xf32, #tpu.memory_space<hbm>>
      tpu.wait_indirect_dma semaphore(%arg7 : memref<!tpu.dma_semaphore, #tpu.memory_space<semaphore_mem>>) src(%dma_wait3A_221 : memref<100204x64xf32, #tpu.memory_space<hbm>>) dst(%dma_wait3A_215 : memref<128x64xf32, #tpu.memory_space<vmem>>)
      %dma_wait3A_222 = arith.constant 1 : i32
      %dma_wait3A_223 = arith.constant 128 : i32
      %dma_wait3A_224 = arith.constant 0 : i32
      %dma_wait3A_225 = tpu.memref_slice %arg6[%dma_wait3A_222, %dma_wait3A_223, %dma_wait3A_224] : memref<2x640x64xf32, #tpu.memory_space<vmem>> -> memref<1x128x64xf32, #tpu.memory_space<vmem>>
      %dma_wait3A_226 = tpu.memref_squeeze %dma_wait3A_225 : memref<1x128x64xf32, #tpu.memory_space<vmem>> -> memref<128x64xf32, #tpu.memory_space<vmem>>
      %dma_wait3A_227 = arith.constant 0 : i32
      %dma_wait3A_228 = tpu.memref_slice %arg5[%add3A_102, %dma_wait3A_227] : memref<200x128xi32, #tpu.memory_space<vmem>> -> memref<1x128xi32, #tpu.memory_space<vmem>>
      %dma_wait3A_229 = tpu.memref_squeeze %dma_wait3A_228 : memref<1x128xi32, #tpu.memory_space<vmem>> -> memref<128xi32, #tpu.memory_space<vmem>>
      %dma_wait3A_230 = arith.constant 0 : i32
      %dma_wait3A_231 = arith.constant 0 : i32
      %dma_wait3A_232 = tpu.memref_slice %arg2[%dma_wait3A_230, %dma_wait3A_231] : memref<100204x64xf32, #tpu.memory_space<hbm>> -> memref<100204x64xf32, #tpu.memory_space<hbm>>
      tpu.wait_indirect_dma semaphore(%arg7 : memref<!tpu.dma_semaphore, #tpu.memory_space<semaphore_mem>>) src(%dma_wait3A_232 : memref<100204x64xf32, #tpu.memory_space<hbm>>) dst(%dma_wait3A_226 : memref<128x64xf32, #tpu.memory_space<vmem>>)
      %dma_wait3A_233 = arith.constant 1 : i32
      %dma_wait3A_234 = arith.constant 256 : i32
      %dma_wait3A_235 = arith.constant 0 : i32
      %dma_wait3A_236 = tpu.memref_slice %arg6[%dma_wait3A_233, %dma_wait3A_234, %dma_wait3A_235] : memref<2x640x64xf32, #tpu.memory_space<vmem>> -> memref<1x128x64xf32, #tpu.memory_space<vmem>>
      %dma_wait3A_237 = tpu.memref_squeeze %dma_wait3A_236 : memref<1x128x64xf32, #tpu.memory_space<vmem>> -> memref<128x64xf32, #tpu.memory_space<vmem>>
      %dma_wait3A_238 = arith.constant 0 : i32
      %dma_wait3A_239 = tpu.memref_slice %arg5[%add3A_115, %dma_wait3A_238] : memref<200x128xi32, #tpu.memory_space<vmem>> -> memref<1x128xi32, #tpu.memory_space<vmem>>
      %dma_wait3A_240 = tpu.memref_squeeze %dma_wait3A_239 : memref<1x128xi32, #tpu.memory_space<vmem>> -> memref<128xi32, #tpu.memory_space<vmem>>
      %dma_wait3A_241 = arith.constant 0 : i32
      %dma_wait3A_242 = arith.constant 0 : i32
      %dma_wait3A_243 = tpu.memref_slice %arg2[%dma_wait3A_241, %dma_wait3A_242] : memref<100204x64xf32, #tpu.memory_space<hbm>> -> memref<100204x64xf32, #tpu.memory_space<hbm>>
      tpu.wait_indirect_dma semaphore(%arg7 : memref<!tpu.dma_semaphore, #tpu.memory_space<semaphore_mem>>) src(%dma_wait3A_243 : memref<100204x64xf32, #tpu.memory_space<hbm>>) dst(%dma_wait3A_237 : memref<128x64xf32, #tpu.memory_space<vmem>>)
      %dma_wait3A_244 = arith.constant 1 : i32
      %dma_wait3A_245 = arith.constant 384 : i32
      %dma_wait3A_246 = arith.constant 0 : i32
      %dma_wait3A_247 = tpu.memref_slice %arg6[%dma_wait3A_244, %dma_wait3A_245, %dma_wait3A_246] : memref<2x640x64xf32, #tpu.memory_space<vmem>> -> memref<1x128x64xf32, #tpu.memory_space<vmem>>
      %dma_wait3A_248 = tpu.memref_squeeze %dma_wait3A_247 : memref<1x128x64xf32, #tpu.memory_space<vmem>> -> memref<128x64xf32, #tpu.memory_space<vmem>>
      %dma_wait3A_249 = arith.constant 0 : i32
      %dma_wait3A_250 = tpu.memref_slice %arg5[%add3A_128, %dma_wait3A_249] : memref<200x128xi32, #tpu.memory_space<vmem>> -> memref<1x128xi32, #tpu.memory_space<vmem>>
      %dma_wait3A_251 = tpu.memref_squeeze %dma_wait3A_250 : memref<1x128xi32, #tpu.memory_space<vmem>> -> memref<128xi32, #tpu.memory_space<vmem>>
      %dma_wait3A_252 = arith.constant 0 : i32
      %dma_wait3A_253 = arith.constant 0 : i32
      %dma_wait3A_254 = tpu.memref_slice %arg2[%dma_wait3A_252, %dma_wait3A_253] : memref<100204x64xf32, #tpu.memory_space<hbm>> -> memref<100204x64xf32, #tpu.memory_space<hbm>>
      tpu.wait_indirect_dma semaphore(%arg7 : memref<!tpu.dma_semaphore, #tpu.memory_space<semaphore_mem>>) src(%dma_wait3A_254 : memref<100204x64xf32, #tpu.memory_space<hbm>>) dst(%dma_wait3A_248 : memref<128x64xf32, #tpu.memory_space<vmem>>)
      %dma_wait3A_255 = arith.constant 1 : i32
      %dma_wait3A_256 = arith.constant 512 : i32
      %dma_wait3A_257 = arith.constant 0 : i32
      %dma_wait3A_258 = tpu.memref_slice %arg6[%dma_wait3A_255, %dma_wait3A_256, %dma_wait3A_257] : memref<2x640x64xf32, #tpu.memory_space<vmem>> -> memref<1x128x64xf32, #tpu.memory_space<vmem>>
      %dma_wait3A_259 = tpu.memref_squeeze %dma_wait3A_258 : memref<1x128x64xf32, #tpu.memory_space<vmem>> -> memref<128x64xf32, #tpu.memory_space<vmem>>
      %dma_wait3A_260 = arith.constant 0 : i32
      %dma_wait3A_261 = tpu.memref_slice %arg5[%add3A_141, %dma_wait3A_260] : memref<200x128xi32, #tpu.memory_space<vmem>> -> memref<1x128xi32, #tpu.memory_space<vmem>>
      %dma_wait3A_262 = tpu.memref_squeeze %dma_wait3A_261 : memref<1x128xi32, #tpu.memory_space<vmem>> -> memref<128xi32, #tpu.memory_space<vmem>>
      %dma_wait3A_263 = arith.constant 0 : i32
      %dma_wait3A_264 = arith.constant 0 : i32
      %dma_wait3A_265 = tpu.memref_slice %arg2[%dma_wait3A_263, %dma_wait3A_264] : memref<100204x64xf32, #tpu.memory_space<hbm>> -> memref<100204x64xf32, #tpu.memory_space<hbm>>
      tpu.wait_indirect_dma semaphore(%arg7 : memref<!tpu.dma_semaphore, #tpu.memory_space<semaphore_mem>>) src(%dma_wait3A_265 : memref<100204x64xf32, #tpu.memory_space<hbm>>) dst(%dma_wait3A_259 : memref<128x64xf32, #tpu.memory_space<vmem>>)
    }
    %scan3A_6 = arith.constant 20 : i32
    %add3A_7 = arith.constant 195 : i32
    %add3A_8 = arith.addi %mul3A_2, %add3A_7 : i32
    %mul3A_9 = arith.constant 128 : i32
    %mul3A_10 = arith.muli %add3A_8, %mul3A_9 : i32
    %run_scoped3A = arith.constant 1 : i32
    "tpu.region"() ({
      %run_scoped3A_11 = tpu.sem_alloc : memref<!tpu.dma_semaphore, #tpu.memory_space<semaphore_mem>>
      %dma_start3A = arith.constant 0 : i32
      %dma_start3A_12 = arith.constant 0 : i32
      %dma_start3A_13 = tpu.memref_slice %arg6[%run_scoped3A, %dma_start3A, %dma_start3A_12] : memref<2x640x64xf32, #tpu.memory_space<vmem>> -> memref<1x640x64xf32, #tpu.memory_space<vmem>>
      %dma_start3A_14 = tpu.memref_squeeze %dma_start3A_13 : memref<1x640x64xf32, #tpu.memory_space<vmem>> -> memref<640x64xf32, #tpu.memory_space<vmem>>
      %dma_start3A_15 = arith.constant 0 : i32
      %dma_start3A_16 = tpu.memref_slice %arg4[%mul3A_10, %dma_start3A_15] : memref<819200x64xf32, #tpu.memory_space<hbm>> -> memref<640x64xf32, #tpu.memory_space<hbm>>
      %dma_start3A_17 = arith.constant 0 : i32
      %dma_start3A_18 = tpu.memref_slice %arg4[%mul3A_10, %dma_start3A_17] : memref<819200x64xf32, #tpu.memory_space<hbm>> -> memref<640x64xf32, #tpu.memory_space<hbm>>
      %dma_start3A_19 = arith.constant 0 : i32
      %dma_start3A_20 = arith.constant 0 : i32
      %dma_start3A_21 = tpu.memref_slice %arg6[%run_scoped3A, %dma_start3A_19, %dma_start3A_20] : memref<2x640x64xf32, #tpu.memory_space<vmem>> -> memref<1x640x64xf32, #tpu.memory_space<vmem>>
      %dma_start3A_22 = tpu.memref_squeeze %dma_start3A_21 : memref<1x640x64xf32, #tpu.memory_space<vmem>> -> memref<640x64xf32, #tpu.memory_space<vmem>>
      tpu.enqueue_dma source(%dma_start3A_22 : memref<640x64xf32, #tpu.memory_space<vmem>>) target(%dma_start3A_18 : memref<640x64xf32, #tpu.memory_space<hbm>>) target_semaphore(%run_scoped3A_11 : memref<!tpu.dma_semaphore, #tpu.memory_space<semaphore_mem>>)
      %dma_wait3A = arith.constant 0 : i32
      %dma_wait3A_23 = arith.constant 0 : i32
      %dma_wait3A_24 = tpu.memref_slice %arg6[%run_scoped3A, %dma_wait3A, %dma_wait3A_23] : memref<2x640x64xf32, #tpu.memory_space<vmem>> -> memref<1x640x64xf32, #tpu.memory_space<vmem>>
      %dma_wait3A_25 = tpu.memref_squeeze %dma_wait3A_24 : memref<1x640x64xf32, #tpu.memory_space<vmem>> -> memref<640x64xf32, #tpu.memory_space<vmem>>
      %dma_wait3A_26 = arith.constant 0 : i32
      %dma_wait3A_27 = tpu.memref_slice %arg4[%mul3A_10, %dma_wait3A_26] : memref<819200x64xf32, #tpu.memory_space<hbm>> -> memref<640x64xf32, #tpu.memory_space<hbm>>
      %dma_wait3A_28 = arith.constant 0 : i32
      %dma_wait3A_29 = tpu.memref_slice %arg4[%mul3A_10, %dma_wait3A_28] : memref<819200x64xf32, #tpu.memory_space<hbm>> -> memref<640x64xf32, #tpu.memory_space<hbm>>
      %dma_wait3A_30 = arith.constant 0 : i32
      %dma_wait3A_31 = arith.constant 0 : i32
      %dma_wait3A_32 = tpu.memref_slice %arg6[%run_scoped3A, %dma_wait3A_30, %dma_wait3A_31] : memref<2x640x64xf32, #tpu.memory_space<vmem>> -> memref<1x640x64xf32, #tpu.memory_space<vmem>>
      %dma_wait3A_33 = tpu.memref_squeeze %dma_wait3A_32 : memref<1x640x64xf32, #tpu.memory_space<vmem>> -> memref<640x64xf32, #tpu.memory_space<vmem>>
      tpu.wait_dma2 semaphore(%run_scoped3A_11 : memref<!tpu.dma_semaphore, #tpu.memory_space<semaphore_mem>>) src(%dma_wait3A_33 : memref<640x64xf32, #tpu.memory_space<vmem>>) dst(%dma_wait3A_29 : memref<640x64xf32, #tpu.memory_space<hbm>>)
      tpu.yield
    }) : () -> ()
    return
  }
}

</mosaic_0001>

<sc_bundles>
// kernel: kernel.3.cloned.1.call-start
scs
__scs_entry_jumppad:
0x0: {  	(pc) =	sbr.rel $0x88, $3  }
0x1: {  	(tag) =	ssettag $0x0;
	lr =	simm.s32 $0x1  }
0x2: {  	[smem:$0x3F9D] =	sst lr;
	_ =	strace $0xD0000000  }
0x3: {  	_ = 	snop  }
0x4: {  	_ = 	snop  }
0x5: {  	_ = 	snop  }
0x6: {  	_ = 	snop  }
0x7: {  	_ = 	snop  }
__scs_overlays_trampoline_lowered:
0x8: {  	[smem:$0x3FAC] =	sst s0  }
0x9: {  	[smem:$0x3FAD] =	sst s1  }
0xa: {  	[smem:$0x3FAE] =	sst s2  }
0xb: {  	[smem:$0x3FAF] =	sst s3  }
0xc: {  	[smem:$0x3FB0] =	sst s4  }
0xd: {  	[smem:$0x3FB1] =	sst s5  }
0xe: {  	[smem:$0x3FB2] =	sst s6  }
0xf: {  	[smem:$0x3FB3] =	sst s7  }
0x10: {  	[smem:$0x3FB4] =	sst s8  }
0x11: {  	[smem:$0x3FB5] =	sst s9;
	s0 =	simm.s32 @!p0 $0x0  }
0x12: {  	s1 =	sld [smem:$0x3F9B];
	s0 =	simm.s32 @p0 $0x1  }
0x13: {  	[smem:$0x3FB6] =	sst s0;
	s0 =	simm.s32 @!p1 $0x0  }
0x14: {  	s2 =	sld [smem:$0x3F9A];
	s0 =	simm.s32 @p1 $0x1  }
0x15: {  	[smem:$0x3FB7] =	sst s0;
	s0 =	simm.s32 @!p2 $0x0  }
0x16: {  	s3 =	sld [smem:$0x3FDB];
	s0 =	simm.s32 @p2 $0x1  }
0x17: {  	s4 =	simm.s32 $0x1BF5;
	[smem:$0x3FB9] =	sst s0  }
0x18: {  	s0 =	sld [smem:$0x3F9C];
	_ =	swait.ge [sflag:s4], $0x0  }
0x19: {  	s7 =	sld [smem:$0x3F9D]  }
0x1a: {  	s8 =	sadd.s32 $0xFFFFE003, lr  }
0x1b: {  	s9 =	sadd.s32 $0xFFFFFEF7, lr;
	s5 =	simm.s32 $0xFFFFFFFF;
	p2 =	slt.u32 s8, $0xFFFFF086  }
0x1c: {  	p1 =	slt.u32 s9, $0xF7A;
	s5 =	simm.s32 @!p2 $0x0  }
0x1d: {  	s5 =	simm.s32 @p1 $0x1;
	p0 =	seq.s32 s7, s2  }
0x1e: {  	s7 =	smul.u32 @!p0 $0xF7A, s2;
	p2 =	seq.s32 @!p0 s5, $0x0  }
0x1f: {  	s9 =	smul.u32 $0xF7A, s1;
	s8 =	simm.s32 @!p0 $0x1BF5;
	p2 =	por !p2, p0  }
0x20: {  	[sflag:s8] =	ssyncset.s32 @!p0 $0xFFFFF086;
	s6 =	sadd.s32 @!p0 s3, s7;
	s7 =	simm.s32 @!p0 $0x108  }
0x21: {  	s3 =	sadd.s32 s3, s9;
	s6 =	sadd.s32 @!p0 $0x88, s6;
	s7 =	simm.s32 @p2 $0x1082  }
0x22: {  	[simem:s7], [sflag:s8] =	dma.local @!p0 [hbm:s6], $0xF7A  }
0x23: {  	s9 =	sor.u32 $0xD0000000, s2;
	s6 =	simm.s32 $0x108;
	_ =	swait.ge @!p0 [sflag:s8], $0x0  }
0x24: {  	s3 =	sadd.s32 $0x88, s3;
	s6 =	simm.s32 @!p1 $0x1082;
	[sflag:s4] =	ssyncset.s32 $0xFFFFF086  }
0x25: {  	[simem:s6], [sflag:s4] =	dma.local [hbm:s3], $0xF7A  }
0x26: {  	[smem:$0x3F9D] =	sst s1;
	(tag) =	ssettag s2;
	_ =	strace s9  }
0x27: {  	s1 =	sld [smem:$0x3FAD]  }
0x28: {  	s2 =	sld [smem:$0x3FAE]  }
0x29: {  	s4 =	sld [smem:$0x3FB0]  }
0x2a: {  	p0 =	seq.s32 s5, $0x0;
	s5 =	sld [smem:$0x3FB1]  }
0x2b: {  	s6 =	sld [smem:$0x3FB2]  }
0x2c: {  	s7 =	sld [smem:$0x3FB3]  }
0x2d: {  	s3 =	simm.s32 $0x108;
	s8 =	sld [smem:$0x3FB4]  }
0x2e: {  	s3 =	simm.s32 @!p0 $0x1082;
	s9 =	sld [smem:$0x3FB5]  }
0x2f: {  	lr =	sadd.s32 s0, s3;
	s0 =	sld [smem:$0x3FAC]  }
0x30: {  	s3 =	sld [smem:$0x3FAF]  }
0x31: {  	[smem:$0x3FB8] =	sst s10  }
0x32: {  	s10 =	sld [smem:$0x3FB6];
	_ =	sdelay $0x3  }
0x33: {  	p0 =	seq.s32 s10, $0x1;
	s10 =	sld [smem:$0x3FB8];
	_ =	sdelay $0x3  }
0x34: {  	[smem:$0x3FB8] =	sst s10  }
0x35: {  	s10 =	sld [smem:$0x3FB7];
	_ =	sdelay $0x3  }
0x36: {  	p1 =	seq.s32 s10, $0x1;
	s10 =	sld [smem:$0x3FB8];
	_ =	sdelay $0x3  }
0x37: {  	[smem:$0x3FB8] =	sst s10  }
0x38: {  	s10 =	sld [smem:$0x3FB9]  }
0x39: {  	_ = 	snop;
	(pc) =	sbr.ind lr, $3  }
0x3a: {  	_ = 	snop  }
0x3b: {  	_ = 	snop  }
0x3c: {  	p2 =	seq.s32 s10, $0x1;
	s10 =	sld [smem:$0x3FB8]  }
0x3d: {  	_ =	shalt  }
0x3e: {  	_ =	shalt  }
0x3f: {  	_ =	shalt  }
0x40: {  	_ =	shalt  }
0x41: {  	_ =	shalt  }
0x42: {  	_ =	shalt  }
0x43: {  	_ =	shalt  }
0x44: {  	_ =	shalt  }
0x45: {  	_ =	shalt  }
0x46: {  	_ =	shalt  }
0x47: {  	_ =	shalt  }
0x48: {  	_ =	shalt  }
0x49: {  	_ =	shalt  }
0x4a: {  	_ =	shalt  }
0x4b: {  	_ =	shalt  }
0x4c: {  	_ =	shalt  }
0x4d: {  	_ =	shalt  }
0x4e: {  	_ =	shalt  }
0x4f: {  	_ =	shalt  }
0x50: {  	_ =	shalt  }
0x51: {  	_ =	shalt  }
0x52: {  	_ =	shalt  }
0x53: {  	_ =	shalt  }
0x54: {  	_ =	shalt  }
0x55: {  	_ =	shalt  }
0x56: {  	_ =	shalt  }
0x57: {  	_ =	shalt  }
0x58: {  	_ =	shalt  }
0x59: {  	_ =	shalt  }
0x5a: {  	_ =	shalt  }
0x5b: {  	_ =	shalt  }
0x5c: {  	_ =	shalt  }
0x5d: {  	_ =	shalt  }
0x5e: {  	_ =	shalt  }
0x5f: {  	_ =	shalt  }
0x60: {  	_ =	shalt  }
0x61: {  	_ =	shalt  }
0x62: {  	_ =	shalt  }
0x63: {  	_ =	shalt  }
0x64: {  	_ =	shalt  }
0x65: {  	_ =	shalt  }
0x66: {  	_ =	shalt  }
0x67: {  	_ =	shalt  }
0x68: {  	_ =	shalt  }
0x69: {  	_ =	shalt  }
0x6a: {  	_ =	shalt  }
0x6b: {  	_ =	shalt  }
0x6c: {  	_ =	shalt  }
0x6d: {  	_ =	shalt  }
0x6e: {  	_ =	shalt  }
0x6f: {  	_ =	shalt  }
0x70: {  	_ =	shalt  }
0x71: {  	_ =	shalt  }
0x72: {  	_ =	shalt  }
0x73: {  	_ =	shalt  }
0x74: {  	_ =	shalt  }
0x75: {  	_ =	shalt  }
0x76: {  	_ =	shalt  }
0x77: {  	_ =	shalt  }
0x78: {  	_ =	shalt  }
0x79: {  	_ =	shalt  }
0x7a: {  	_ =	shalt  }
0x7b: {  	_ =	shalt  }
0x7c: {  	_ =	shalt  }
0x7d: {  	_ =	shalt  }
0x7e: {  	_ =	shalt  }
0x7f: {  	_ =	shalt  }
0x80: {  	_ =	shalt  }
0x81: {  	_ =	shalt  }
0x82: {  	_ =	shalt  }
0x83: {  	_ =	shalt  }
0x84: {  	_ =	shalt  }
0x85: {  	_ =	shalt  }
0x86: {  	_ =	shalt  }
0x87: {  	_ =	shalt  }
.Lfunc_end0:
.L_simem_size_0:
called_computation.1_lowered:
.L_overlay_start_0:
0x88: {  	s2 =	sld [smem:$0x3FD9]  }
0x89: {  	s3 =	sld [smem:$0x3FFE];
	_ =	sdelay $0x1  }
0x8a: {  	s1 =	srdreg.scid  }
0x8b: {  	s0 =	sand.u32 $0x1, s1  }
0x8c: {  	s17 =	sshll.u32 s0, $0xA;
	s2 =	sadd.s32 s3, s2  }
0x8d: {  	s2 =	sadd.s32 s2, s17  }
0x8e: {  	[smem:$0x3FC4] =	sst s2  }
0x8f: {  	_ = 	snop  }
0x90: {  	s2 =	sld [smem:$0x3FD0];
	(tm) =	ssettm $0x1  }
0x91: {  	s18 =	sld [smem:$0x3FFB];
	_ =	sdelay $0x3  }
0x92: {  	_ =	strace s18  }
0x93: {  	s3 =	sld [smem:$0x3FFC];
	_ =	sdelay $0x3  }
0x94: {  	_ =	strace s3  }
0x95: {  	s3 =	sld [smem:$0x3FFD];
	_ =	sdelay $0x3  }
0x96: {  	_ =	strace s3  }
0x97: {  	_ =	strace $0x8FFFFFFF  }
0x98: {  	s19 =	sld [smem:$0x3FDB];
	_ =	sdelay $0x1  }
0x99: {  	s4 =	simm.s32 $_scs_section_size  }
0x9a: {  	s5 =	simm.s32 $_size__tile_overlayer_lowered;
	s6 =	simm.s32 $_tile_overlayer_lowered  }
0x9b: {  	s22 =	simm.s32 $0x1BFF;
	s21 =	sshll.u32 s6, $0x1;
	s3 =	sadd.s32 s4, s19  }
0x9c: {  	s7 =	simm.s32 $0x0;
	s20 =	sshll.u32 s5, $0x1;
	s5 =	sadd.s32 s21, s3  }
0x9d: {  	[timem:s7], [sflag:s22] =	dma.local [hbm:s5], s20  }
0x9e: {  	_ =	swait.ge [sflag:s22], s20  }
0x9f: {  	s4 =	ssub.s32 $0x0, s20;
	[sflag:s22] =	ssyncset.done $0x0  }
0xa0: {  	[sflag:s22] =	ssyncadd.s32 s4;
	_ =	sdelay $0x1  }
0xa1: {  	s23 =	simm.s32 $0x1B8B  }
0xa2: {  	_ =	swait.ge [sflag:s23], $0x1  }
0xa3: {  	[sflag:s23] =	ssyncset.done $0x0  }
0xa4: {  	s25 =	simm.s32 $0x1B8E;
	s24 =	sld [smem:$0x3FFE];
	[sflag:s23] =	ssyncadd.s32 $0xFFFFFFFF  }
0xa5: {  	s26 =	simm.s32 $execute0_lowered;
	[smem:$0x3FD2] =	sst s25  }
0xa6: {  	s5 =	sshll.u32 s26, $0x1;
	_ =	strace $0x80000046;
	[dreg:$0x1] =	wrdreg $0xFFFFFFFF  }
0xa7: {  	s28 =	simm.s32 $_size_execute0_lowered;
	s3 =	sadd.s32 s3, s5;
	[dreg:$0x0] =	wrdreg $0x0  }
0xa8: {  	s5 =	sshll.u32 s28, $0x1;
	[dreg:$0x2] =	wrdreg s3  }
0xa9: {  	[dreg:$0x3] =	wrdreg s5  }
0xaa: {  	[dreg:$0x4] =	wrdreg $0xC0  }
0xab: {  	_ =	task [dreg:s7], $0x5FFFF  }
0xac: {  	[dreg:$0x1] =	wrdreg $0xFFFFFFFF  }
0xad: {  	[dreg:$0x0] =	wrdreg $0x60  }
0xae: {  	[dreg:$0x2] =	wrdreg s24  }
0xaf: {  	[dreg:$0x3] =	wrdreg s2  }
0xb0: {  	[dreg:$0x4] =	wrdreg $0x9  }
0xb1: {  	_ =	task.clear_ibuf [dreg:s7], $0x5FFFF;
	_ =	strace $0x90000046  }
0xb2: {  	s29 =	simm.s32 $0x9;
	_ =	strace $0x80000048  }
0xb3: {  	_ =	swait.ge [sflag:s29], $0x1  }
0xb4: {  	[sflag:s29] =	ssyncadd.s32 $0xFFFFFFFF  }
0xb5: {  	_ =	strace $0x90000048  }
0xb6: {  	_ =	sfence  }
0xb7: {  	s30 =	sld [smem:$0x0];
	_ =	sdelay $0x2  }
0xb8: {  	s31 =	sshll.u32 s1, $0xD;
	s1 =	sshrl.u32 s1, $0x2  }
0xb9: {  	s3 =	sand.u32 $0x4000, s31;
	s1 =	sadd.s32 s1, s30  }
0xba: {  	s0 =	sor.u32 s3, s0;
	s1 =	sshll.u32 s1, $0x11  }
0xbb: {  	s0 =	sor.u32 s1, s0  }
0xbc: {  	s0 =	sadd.s32 $0x8F2B, s0  }
0xbd: {  	[sflag:s0] =	ssyncadd.remote.s32 $0x1  }
0xbe: {  	_ =	sfence.sel $0xFFFF  }
0xbf: {  	[dreg:$0x0] =	wrdreg $0xFFFFFFFF;
	(pc) =	sbr.abs _section_cstart, $3  }
0xc0: {  	[dreg:$0x1] =	wrdreg $0xFFFFFFFF  }
0xc1: {  	_ =	task.clear_ibuf [dreg:s7], $0x2FFFF;
	_ =	strace $0x9FFFFFFF  }
0xc2: {  	(tm) =	ssettm $0x7FFFFFFF  }
0xc3: {  	_ =	shalt  }
tec
execute0_lowered:
.L_overlay_start_1:
0x0: {  	(tag) =	ssettag $0x1  }
0x1: {  	s0 =	rddreg [dreg:$0x0]  }
0x2: {  	s1 =	srdreg.scid;
	s11 =	stileid.u32  }
0x3: {  	s9 =	rddreg [dreg:$0x1];
	s2 =	simm.s32 $0x0;
	s12 =	simm.s32 $0x6400  }
0x4: {  	s13 =	simm.s32 $0x8400;
	s15 =	simm.s32 $0xA400;
	s17 =	simm.s32 $0xC400  }
0x5: {  	s19 =	simm.s32 $0xE400;
	s28 =	simm.s32 $0x16400;
	s10 =	smul.u32 $0x320000, s11  }
0x6: {  	s1 =	sand.u32 $0x1, s1;
	s3 =	sshll.u32 s11, $0x1;
	s11 =	smul.u32 $0x64000, s11  }
0x7: {  	s29 =	simm.s32 $0x480;
	s30 =	simm.s32 $0x18400;
	s22 =	smul.u32 $0x190000, s1  }
0x8: {  	[smem:$0x7FF] =	sst s2;
	s4 =	sor.u32 s1, s3;
	s24 =	smul.u32 $0x32000, s1  }
0x9: {  	s31 =	simm.s32 $0x1;
	_ =	strace $0x80000047;
	s5 =	smul.u32 $0xC80, s4  }
0xa: {  	s3 =	sadd.s32 $0x19800, s0;
	s7 =	ssub.s32 $0x2, s1;
	s6 =	smul.u32 $0x190000, s4  }
0xb: {  	s8 =	smul.u32 $0x32000, s4;
	s20 =	sshrl.u32 s7, $0x1;
	s26 =	sadd.s32 s11, s9  }
0xc: {  	s11 =	simm.s32 $0x80;
	s7 =	ssub.s32 s7, s20;
	s25 =	sadd.s32 s22, s10  }
0xd: {  	s10 =	simm.s32 $0x2;
	s0 =	sadd.s32 s5, s0;
	s21 =	sshrl.u32 s6, $0x3  }
0xe: {  	s6 =	smax.u32 s7, $0x1;
	s1 =	sor.u32 $0xA000, s25;
	s7 =	sadd.s32 s9, s8  }
0xf: {  	s25 =	simm.s32 $0x14400;
	s4 =	sadd.s32 $0x800, s0;
	s23 =	sadd.s32 s9, s21  }
0x10: {  	s0 =	sadd.s32 s24, s26;
	s1 =	sshrl.u32 s1, $0x3;
	s21 =	simm.s32 $0x10400  }
0x11: {  	s26 =	simm.s32 $0x400;
	s5 =	sadd.s32 $0x30C00, s23;
	s8 =	sadd.s32 $0x2800, s0  }
0x12: {  	s9 =	sadd.s32 s1, s9;
	s23 =	simm.s32 $0x12400;
	s1 =	simm.s32 $0x0  }
.LBB2_1:
0x13: {  	[tilespmem:s2], [sflag:$0x2] =	stream.linear.gather [hbm4b:s4+s2], $0x6400, $0x38;
	[tilespmem:$0x1A400] =	vst v63  }
0x14: {  	_ =	swait.ge [sflag:s10], $0x6400  }
0x15: {  	[sflag:s10] =	ssyncset.done $0x0  }
0x16: {  	[sflag:s10] =	ssyncadd.s32 $0xFFFF9C00  }
0x17: {  	[tilespmem:s12], [sflag:$0x1] =	stream.indirect.gather [hbm4b:s3+s11], $0x40, s2, s11, $0xb8;
	[tilespmem:$0x1A400] =	vst v63  }
0x18: {  	_ = 	snop  }
0x19: {  	[tilespmem:s13], [sflag:$0x1] =	stream.indirect.gather [hbm4b:s3+s11], $0x40, s11, s11, $0xb8;
	[tilespmem:$0x1A400] =	vst v63  }
0x1a: {  	s0 =	simm.s32 $0x100  }
0x1b: {  	[tilespmem:s15], [sflag:$0x1] =	stream.indirect.gather [hbm4b:s3+s11], $0x40, s0, s11, $0xb8;
	[tilespmem:$0x1A400] =	vst v63  }
0x1c: {  	s20 =	simm.s32 $0x180  }
0x1d: {  	[tilespmem:s17], [sflag:$0x1] =	stream.indirect.gather [hbm4b:s3+s11], $0x40, s20, s11, $0xb8;
	[tilespmem:$0x1A400] =	vst v63  }
0x1e: {  	s22 =	simm.s32 $0x200  }
0x1f: {  	[tilespmem:s19], [sflag:$0x1] =	stream.indirect.gather [hbm4b:s3+s11], $0x40, s22, s11, $0xb8;
	[tilespmem:$0x1A400] =	vst v63  }
0x20: {  	s24 =	simm.s32 $0x280  }
0x21: {  	[tilespmem:s21], [sflag:$0x1] =	stream.indirect.gather [hbm4b:s3+s11], $0x40, s24, s11, $0xb8;
	[tilespmem:$0x1A400] =	vst v63  }
0x22: {  	s14 =	simm.s32 $0x300  }
0x23: {  	[tilespmem:s23], [sflag:$0x1] =	stream.indirect.gather [hbm4b:s3+s11], $0x40, s14, s11, $0xb8;
	[tilespmem:$0x1A400] =	vst v63  }
0x24: {  	s16 =	simm.s32 $0x380  }
0x25: {  	[tilespmem:s25], [sflag:$0x1] =	stream.indirect.gather [hbm4b:s3+s11], $0x40, s16, s11, $0xb8;
	[tilespmem:$0x1A400] =	vst v63  }
0x26: {  	_ = 	snop  }
0x27: {  	[tilespmem:s28], [sflag:$0x1] =	stream.indirect.gather [hbm4b:s3+s11], $0x40, s26, s11, $0xb8;
	[tilespmem:$0x1A400] =	vst v63  }
0x28: {  	_ = 	snop  }
0x29: {  	[tilespmem:s30], [sflag:$0x1] =	stream.indirect.gather [hbm4b:s3+s11], $0x40, s29, s11, $0xb8;
	[tilespmem:$0x1A400] =	vst v63  }
0x2a: {  	_ =	swait.ge [sflag:s31], $0x2000  }
0x2b: {  	[sflag:s31] =	ssyncset.done $0x0  }
0x2c: {  	[sflag:s31] =	ssyncadd.s32 $0xFFFFE000  }
0x2d: {  	_ =	swait.ge [sflag:s31], $0x2000  }
0x2e: {  	[sflag:s31] =	ssyncset.done $0x0  }
0x2f: {  	[sflag:s31] =	ssyncadd.s32 $0xFFFFE000  }
0x30: {  	_ =	swait.ge [sflag:s31], $0x2000  }
0x31: {  	[sflag:s31] =	ssyncset.done $0x0  }
0x32: {  	[sflag:s31] =	ssyncadd.s32 $0xFFFFE000  }
0x33: {  	_ =	swait.ge [sflag:s31], $0x2000  }
0x34: {  	[sflag:s31] =	ssyncset.done $0x0  }
0x35: {  	[sflag:s31] =	ssyncadd.s32 $0xFFFFE000  }
0x36: {  	_ =	swait.ge [sflag:s31], $0x2000  }
0x37: {  	[sflag:s31] =	ssyncset.done $0x0  }
0x38: {  	[sflag:s31] =	ssyncadd.s32 $0xFFFFE000  }
0x39: {  	[hbm4b:s7+s2] =	stream.linear.scatter [tilespmem:s12], [sflag:$0x2], $0xA000, $0x38;
	[tilespmem:$0x1A400] =	vst v63  }
0x3a: {  	_ =	swait.ge [sflag:s10], $0xA000  }
0x3b: {  	[sflag:s10] =	ssyncset.done $0x0  }
0x3c: {  	[sflag:s10] =	ssyncadd.s32 $0xFFFF6000  }
0x3d: {  	_ =	swait.ge [sflag:s31], $0x2000  }
0x3e: {  	[sflag:s31] =	ssyncset.done $0x0  }
0x3f: {  	[sflag:s31] =	ssyncadd.s32 $0xFFFFE000  }
0x40: {  	_ =	swait.ge [sflag:s31], $0x2000  }
0x41: {  	[sflag:s31] =	ssyncset.done $0x0  }
0x42: {  	[sflag:s31] =	ssyncadd.s32 $0xFFFFE000  }
0x43: {  	_ =	swait.ge [sflag:s31], $0x2000  }
0x44: {  	[sflag:s31] =	ssyncset.done $0x0  }
0x45: {  	[sflag:s31] =	ssyncadd.s32 $0xFFFFE000  }
0x46: {  	_ =	swait.ge [sflag:s31], $0x2000  }
0x47: {  	[sflag:s31] =	ssyncset.done $0x0  }
0x48: {  	[sflag:s31] =	ssyncadd.s32 $0xFFFFE000  }
0x49: {  	_ =	swait.ge [sflag:s31], $0x2000  }
0x4a: {  	[sflag:s31] =	ssyncset.done $0x0  }
0x4b: {  	s18 =	simm.s32 $0x500;
	[sflag:s31] =	ssyncadd.s32 $0xFFFFE000  }
0x4c: {  	[tilespmem:s12], [sflag:$0x1] =	stream.indirect.gather [hbm4b:s3+s11], $0x40, s18, s11, $0xb8;
	[tilespmem:$0x1A400] =	vst v63  }
0x4d: {  	s20 =	simm.s32 $0x580  }
0x4e: {  	[tilespmem:s13], [sflag:$0x1] =	stream.indirect.gather [hbm4b:s3+s11], $0x40, s20, s11, $0xb8;
	[tilespmem:$0x1A400] =	vst v63  }
0x4f: {  	s22 =	simm.s32 $0x600  }
0x50: {  	[tilespmem:s15], [sflag:$0x1] =	stream.indirect.gather [hbm4b:s3+s11], $0x40, s22, s11, $0xb8;
	[tilespmem:$0x1A400] =	vst v63  }
0x51: {  	s24 =	simm.s32 $0x680  }
0x52: {  	[tilespmem:s17], [sflag:$0x1] =	stream.indirect.gather [hbm4b:s3+s11], $0x40, s24, s11, $0xb8;
	[tilespmem:$0x1A400] =	vst v63  }
0x53: {  	s14 =	simm.s32 $0x700  }
0x54: {  	[tilespmem:s19], [sflag:$0x1] =	stream.indirect.gather [hbm4b:s3+s11], $0x40, s14, s11, $0xb8;
	[tilespmem:$0x1A400] =	vst v63  }
0x55: {  	_ = 	snop  }
0x56: {  	[hbm4b:s9+s2] =	stream.linear.scatter [tilespmem:s21], [sflag:$0x2], $0xA000, $0x38;
	[tilespmem:$0x1A400] =	vst v63  }
0x57: {  	_ =	swait.ge [sflag:s10], $0xA000  }
0x58: {  	[sflag:s10] =	ssyncset.done $0x0  }
0x59: {  	s16 =	simm.s32 $0x780;
	[sflag:s10] =	ssyncadd.s32 $0xFFFF6000  }
0x5a: {  	[tilespmem:s21], [sflag:$0x1] =	stream.indirect.gather [hbm4b:s3+s11], $0x40, s16, s11, $0xb8;
	[tilespmem:$0x1A400] =	vst v63  }
0x5b: {  	s18 =	simm.s32 $0x800  }
0x5c: {  	[tilespmem:s23], [sflag:$0x1] =	stream.indirect.gather [hbm4b:s3+s11], $0x40, s18, s11, $0xb8;
	[tilespmem:$0x1A400] =	vst v63  }
0x5d: {  	s20 =	simm.s32 $0x880  }
0x5e: {  	[tilespmem:s25], [sflag:$0x1] =	stream.indirect.gather [hbm4b:s3+s11], $0x40, s20, s11, $0xb8;
	[tilespmem:$0x1A400] =	vst v63  }
0x5f: {  	s22 =	simm.s32 $0x900  }
0x60: {  	[tilespmem:s28], [sflag:$0x1] =	stream.indirect.gather [hbm4b:s3+s11], $0x40, s22, s11, $0xb8;
	[tilespmem:$0x1A400] =	vst v63  }
0x61: {  	s24 =	simm.s32 $0x980  }
0x62: {  	[tilespmem:s30], [sflag:$0x1] =	stream.indirect.gather [hbm4b:s3+s11], $0x40, s24, s11, $0xb8;
	[tilespmem:$0x1A400] =	vst v63  }
0x63: {  	_ =	swait.ge [sflag:s31], $0x2000  }
0x64: {  	[sflag:s31] =	ssyncset.done $0x0  }
0x65: {  	[sflag:s31] =	ssyncadd.s32 $0xFFFFE000  }
0x66: {  	_ =	swait.ge [sflag:s31], $0x2000  }
0x67: {  	[sflag:s31] =	ssyncset.done $0x0  }
0x68: {  	[sflag:s31] =	ssyncadd.s32 $0xFFFFE000  }
0x69: {  	_ =	swait.ge [sflag:s31], $0x2000  }
0x6a: {  	[sflag:s31] =	ssyncset.done $0x0  }
0x6b: {  	[sflag:s31] =	ssyncadd.s32 $0xFFFFE000  }
0x6c: {  	_ =	swait.ge [sflag:s31], $0x2000  }
0x6d: {  	[sflag:s31] =	ssyncset.done $0x0  }
0x6e: {  	[sflag:s31] =	ssyncadd.s32 $0xFFFFE000  }
0x6f: {  	_ =	swait.ge [sflag:s31], $0x2000  }
0x70: {  	[sflag:s31] =	ssyncset.done $0x0  }
0x71: {  	[sflag:s31] =	ssyncadd.s32 $0xFFFFE000  }
0x72: {  	[hbm4b:s8+s2] =	stream.linear.scatter [tilespmem:s12], [sflag:$0x2], $0xA000, $0x38;
	[tilespmem:$0x1A400] =	vst v63  }
0x73: {  	_ =	swait.ge [sflag:s10], $0xA000  }
0x74: {  	[sflag:s10] =	ssyncset.done $0x0  }
0x75: {  	[sflag:s10] =	ssyncadd.s32 $0xFFFF6000  }
0x76: {  	_ =	swait.ge [sflag:s31], $0x2000  }
0x77: {  	[sflag:s31] =	ssyncset.done $0x0  }
0x78: {  	[sflag:s31] =	ssyncadd.s32 $0xFFFFE000  }
0x79: {  	_ =	swait.ge [sflag:s31], $0x2000  }
0x7a: {  	[sflag:s31] =	ssyncset.done $0x0  }
0x7b: {  	[sflag:s31] =	ssyncadd.s32 $0xFFFFE000  }
0x7c: {  	_ =	swait.ge [sflag:s31], $0x2000  }
0x7d: {  	[sflag:s31] =	ssyncset.done $0x0  }
0x7e: {  	[sflag:s31] =	ssyncadd.s32 $0xFFFFE000  }
0x7f: {  	_ =	swait.ge [sflag:s31], $0x2000  }
0x80: {  	[sflag:s31] =	ssyncset.done $0x0  }
0x81: {  	[sflag:s31] =	ssyncadd.s32 $0xFFFFE000  }
0x82: {  	s0 =	sadd.s32 $0x2800, s8;
	s14 =	sadd.s32 $0x2800, s9;
	_ =	swait.ge [sflag:s31], $0x2000  }
0x83: {  	s16 =	simm.s32 $0x2800;
	s20 =	simm.s32 $0x500;
	[sflag:s31] =	ssyncset.done $0x0  }
.LBB2_2:
0x84: {  	s24 =	sadd.s32 $0x500, s20  }
0x85: {  	[sflag:s31] =	ssyncadd.s32 $0xFFFFE000;
	s18 =	smov.u32 s16;
	s22 =	sadd.s32 $0x1400, s16  }
0x86: {  	[tilespmem:s12], [sflag:$0x1] =	stream.indirect.gather [hbm4b:s3+s11], $0x40, s24, s11, $0xb8;
	[tilespmem:$0x1A400] =	vst v63  }
0x87: {  	p0 =	sne.s32 s16, $0x16800;
	s16 =	sadd.s32 $0x580, s20  }
0x88: {  	[tilespmem:s13], [sflag:$0x1] =	stream.indirect.gather [hbm4b:s3+s11], $0x40, s16, s11, $0xb8;
	[tilespmem:$0x1A400] =	vst v63  }
0x89: {  	s16 =	sadd.s32 $0x600, s20  }
0x8a: {  	[tilespmem:s15], [sflag:$0x1] =	stream.indirect.gather [hbm4b:s3+s11], $0x40, s16, s11, $0xb8;
	[tilespmem:$0x1A400] =	vst v63  }
0x8b: {  	s16 =	sadd.s32 $0x680, s20  }
0x8c: {  	[tilespmem:s17], [sflag:$0x1] =	stream.indirect.gather [hbm4b:s3+s11], $0x40, s16, s11, $0xb8;
	[tilespmem:$0x1A400] =	vst v63  }
0x8d: {  	s16 =	sadd.s32 $0x700, s20  }
0x8e: {  	[tilespmem:s19], [sflag:$0x1] =	stream.indirect.gather [hbm4b:s3+s11], $0x40, s16, s11, $0xb8;
	[tilespmem:$0x1A400] =	vst v63  }
0x8f: {  	_ = 	snop  }
0x90: {  	[hbm4b:s14+s2] =	stream.linear.scatter [tilespmem:s21], [sflag:$0x2], $0xA000, $0x38;
	[tilespmem:$0x1A400] =	vst v63  }
0x91: {  	_ =	swait.ge [sflag:s10], $0xA000  }
0x92: {  	[sflag:s10] =	ssyncset.done $0x0  }
0x93: {  	s16 =	sadd.s32 $0x780, s20;
	[sflag:s10] =	ssyncadd.s32 $0xFFFF6000  }
0x94: {  	[tilespmem:s21], [sflag:$0x1] =	stream.indirect.gather [hbm4b:s3+s11], $0x40, s16, s11, $0xb8;
	[tilespmem:$0x1A400] =	vst v63  }
0x95: {  	s16 =	sadd.s32 $0x800, s20  }
0x96: {  	[tilespmem:s23], [sflag:$0x1] =	stream.indirect.gather [hbm4b:s3+s11], $0x40, s16, s11, $0xb8;
	[tilespmem:$0x1A400] =	vst v63  }
0x97: {  	s16 =	sadd.s32 $0x880, s20  }
0x98: {  	[tilespmem:s25], [sflag:$0x1] =	stream.indirect.gather [hbm4b:s3+s11], $0x40, s16, s11, $0xb8;
	[tilespmem:$0x1A400] =	vst v63  }
0x99: {  	s16 =	sadd.s32 $0x900, s20  }
0x9a: {  	[tilespmem:s28], [sflag:$0x1] =	stream.indirect.gather [hbm4b:s3+s11], $0x40, s16, s11, $0xb8;
	[tilespmem:$0x1A400] =	vst v63  }
0x9b: {  	s16 =	sadd.s32 $0x980, s20  }
0x9c: {  	[tilespmem:s30], [sflag:$0x1] =	stream.indirect.gather [hbm4b:s3+s11], $0x40, s16, s11, $0xb8;
	[tilespmem:$0x1A400] =	vst v63  }
0x9d: {  	_ =	swait.ge [sflag:s31], $0x2000  }
0x9e: {  	[sflag:s31] =	ssyncset.done $0x0  }
0x9f: {  	[sflag:s31] =	ssyncadd.s32 $0xFFFFE000  }
0xa0: {  	_ =	swait.ge [sflag:s31], $0x2000  }
0xa1: {  	[sflag:s31] =	ssyncset.done $0x0  }
0xa2: {  	[sflag:s31] =	ssyncadd.s32 $0xFFFFE000  }
0xa3: {  	_ =	swait.ge [sflag:s31], $0x2000  }
0xa4: {  	[sflag:s31] =	ssyncset.done $0x0  }
0xa5: {  	[sflag:s31] =	ssyncadd.s32 $0xFFFFE000  }
0xa6: {  	_ =	swait.ge [sflag:s31], $0x2000  }
0xa7: {  	[sflag:s31] =	ssyncset.done $0x0  }
0xa8: {  	[sflag:s31] =	ssyncadd.s32 $0xFFFFE000  }
0xa9: {  	_ =	swait.ge [sflag:s31], $0x2000  }
0xaa: {  	[sflag:s31] =	ssyncset.done $0x0  }
0xab: {  	[sflag:s31] =	ssyncadd.s32 $0xFFFFE000  }
0xac: {  	[hbm4b:s0+s2] =	stream.linear.scatter [tilespmem:s12], [sflag:$0x2], $0xA000, $0x38;
	[tilespmem:$0x1A400] =	vst v63  }
0xad: {  	_ =	swait.ge [sflag:s10], $0xA000  }
0xae: {  	[sflag:s10] =	ssyncset.done $0x0  }
0xaf: {  	[sflag:s10] =	ssyncadd.s32 $0xFFFF6000  }
0xb0: {  	_ =	swait.ge [sflag:s31], $0x2000  }
0xb1: {  	[sflag:s31] =	ssyncset.done $0x0  }
0xb2: {  	[sflag:s31] =	ssyncadd.s32 $0xFFFFE000  }
0xb3: {  	_ =	swait.ge [sflag:s31], $0x2000  }
0xb4: {  	[sflag:s31] =	ssyncset.done $0x0  }
0xb5: {  	[sflag:s31] =	ssyncadd.s32 $0xFFFFE000  }
0xb6: {  	_ =	swait.ge [sflag:s31], $0x2000  }
0xb7: {  	[sflag:s31] =	ssyncset.done $0x0  }
0xb8: {  	[sflag:s31] =	ssyncadd.s32 $0xFFFFE000  }
.Ltmp0:
0xb9: {  	_ =	swait.ge [sflag:s31], $0x2000;
	(pc) =	sbr.rel @p0 .LBB2_2-.Ltmp0, $4  }
0xba: {  	[sflag:s31] =	ssyncset.done $0x0  }
0xbb: {  	[sflag:s31] =	ssyncadd.s32 $0xFFFFE000  }
0xbc: {  	s14 =	sadd.s32 $0x2800, s14;
	s20 =	sshra.s32 s18, $0x2;
	_ =	swait.ge [sflag:s31], $0x2000  }
0xbd: {  	s16 =	smov.u32 s22;
	s0 =	sadd.s32 $0x2800, s0;
	[sflag:s31] =	ssyncset.done $0x0  }
0xbe: {  	s16 =	sadd.s32 $0x500, s20;
	[sflag:s31] =	ssyncadd.s32 $0xFFFFE000  }
0xbf: {  	[tilespmem:s12], [sflag:$0x1] =	stream.indirect.gather [hbm4b:s3+s11], $0x40, s16, s11, $0xb8;
	[tilespmem:$0x1A400] =	vst v63  }
0xc0: {  	s22 =	sadd.s32 $0x580, s20  }
0xc1: {  	[tilespmem:s13], [sflag:$0x1] =	stream.indirect.gather [hbm4b:s3+s11], $0x40, s22, s11, $0xb8;
	[tilespmem:$0x1A400] =	vst v63  }
0xc2: {  	s24 =	sadd.s32 $0x600, s20  }
0xc3: {  	[tilespmem:s15], [sflag:$0x1] =	stream.indirect.gather [hbm4b:s3+s11], $0x40, s24, s11, $0xb8;
	[tilespmem:$0x1A400] =	vst v63  }
0xc4: {  	s18 =	sadd.s32 $0x680, s20  }
0xc5: {  	[tilespmem:s17], [sflag:$0x1] =	stream.indirect.gather [hbm4b:s3+s11], $0x40, s18, s11, $0xb8;
	[tilespmem:$0x1A400] =	vst v63  }
0xc6: {  	s22 =	sadd.s32 $0x700, s20  }
0xc7: {  	[tilespmem:s19], [sflag:$0x1] =	stream.indirect.gather [hbm4b:s3+s11], $0x40, s22, s11, $0xb8;
	[tilespmem:$0x1A400] =	vst v63  }
0xc8: {  	_ = 	snop  }
0xc9: {  	[hbm4b:s14+s2] =	stream.linear.scatter [tilespmem:s21], [sflag:$0x2], $0xA000, $0x38;
	[tilespmem:$0x1A400] =	vst v63  }
0xca: {  	_ =	swait.ge [sflag:s10], $0xA000  }
0xcb: {  	[sflag:s10] =	ssyncset.done $0x0  }
0xcc: {  	s24 =	sadd.s32 $0x780, s20;
	[sflag:s10] =	ssyncadd.s32 $0xFFFF6000  }
0xcd: {  	[tilespmem:s21], [sflag:$0x1] =	stream.indirect.gather [hbm4b:s3+s11], $0x40, s24, s11, $0xb8;
	[tilespmem:$0x1A400] =	vst v63  }
0xce: {  	s16 =	sadd.s32 $0x800, s20  }
0xcf: {  	[tilespmem:s23], [sflag:$0x1] =	stream.indirect.gather [hbm4b:s3+s11], $0x40, s16, s11, $0xb8;
	[tilespmem:$0x1A400] =	vst v63  }
0xd0: {  	s18 =	sadd.s32 $0x880, s20  }
0xd1: {  	[tilespmem:s25], [sflag:$0x1] =	stream.indirect.gather [hbm4b:s3+s11], $0x40, s18, s11, $0xb8;
	[tilespmem:$0x1A400] =	vst v63  }
0xd2: {  	s22 =	sadd.s32 $0x900, s20  }
0xd3: {  	[tilespmem:s28], [sflag:$0x1] =	stream.indirect.gather [hbm4b:s3+s11], $0x40, s22, s11, $0xb8;
	[tilespmem:$0x1A400] =	vst v63  }
0xd4: {  	s24 =	sadd.s32 $0x980, s20  }
0xd5: {  	[tilespmem:s30], [sflag:$0x1] =	stream.indirect.gather [hbm4b:s3+s11], $0x40, s24, s11, $0xb8;
	[tilespmem:$0x1A400] =	vst v63  }
0xd6: {  	_ =	swait.ge [sflag:s31], $0x2000  }
0xd7: {  	[sflag:s31] =	ssyncset.done $0x0  }
0xd8: {  	[sflag:s31] =	ssyncadd.s32 $0xFFFFE000  }
0xd9: {  	_ =	swait.ge [sflag:s31], $0x2000  }
0xda: {  	[sflag:s31] =	ssyncset.done $0x0  }
0xdb: {  	[sflag:s31] =	ssyncadd.s32 $0xFFFFE000  }
0xdc: {  	_ =	swait.ge [sflag:s31], $0x2000  }
0xdd: {  	[sflag:s31] =	ssyncset.done $0x0  }
0xde: {  	[sflag:s31] =	ssyncadd.s32 $0xFFFFE000  }
0xdf: {  	_ =	swait.ge [sflag:s31], $0x2000  }
0xe0: {  	[sflag:s31] =	ssyncset.done $0x0  }
0xe1: {  	[sflag:s31] =	ssyncadd.s32 $0xFFFFE000  }
0xe2: {  	_ =	swait.ge [sflag:s31], $0x2000  }
0xe3: {  	[sflag:s31] =	ssyncset.done $0x0  }
0xe4: {  	[sflag:s31] =	ssyncadd.s32 $0xFFFFE000  }
0xe5: {  	[hbm4b:s0+s2] =	stream.linear.scatter [tilespmem:s12], [sflag:$0x2], $0xA000, $0x38;
	[tilespmem:$0x1A400] =	vst v63  }
0xe6: {  	_ =	swait.ge [sflag:s10], $0xA000  }
0xe7: {  	[sflag:s10] =	ssyncset.done $0x0  }
0xe8: {  	[sflag:s10] =	ssyncadd.s32 $0xFFFF6000  }
0xe9: {  	_ =	swait.ge [sflag:s31], $0x2000  }
0xea: {  	[sflag:s31] =	ssyncset.done $0x0  }
0xeb: {  	[sflag:s31] =	ssyncadd.s32 $0xFFFFE000  }
0xec: {  	_ =	swait.ge [sflag:s31], $0x2000  }
0xed: {  	[sflag:s31] =	ssyncset.done $0x0  }
0xee: {  	[sflag:s31] =	ssyncadd.s32 $0xFFFFE000  }
0xef: {  	_ =	swait.ge [sflag:s31], $0x2000  }
0xf0: {  	[sflag:s31] =	ssyncset.done $0x0  }
0xf1: {  	[sflag:s31] =	ssyncadd.s32 $0xFFFFE000  }
0xf2: {  	_ =	swait.ge [sflag:s31], $0x2000  }
0xf3: {  	[sflag:s31] =	ssyncset.done $0x0  }
0xf4: {  	[sflag:s31] =	ssyncadd.s32 $0xFFFFE000  }
0xf5: {  	s1 =	sadd.s32 $0x1, s1;
	_ =	swait.ge [sflag:s31], $0x2000  }
0xf6: {  	p0 =	sne.s32 s1, s6;
	[sflag:s31] =	ssyncset.done $0x0  }
.Ltmp1:
0xf7: {  	[sflag:s31] =	ssyncadd.s32 $0xFFFFE000;
	(pc) =	sbr.rel @p0 .LBB2_1-.Ltmp1, $4  }
0xf8: {  	[hbm4b:s5+s2] =	stream.linear.scatter [tilespmem:s21], [sflag:$0x2], $0xA000, $0x38;
	[tilespmem:$0x1A400] =	vst v63  }
0xf9: {  	_ =	swait.ge [sflag:s10], $0xA000  }
0xfa: {  	[sflag:s10] =	ssyncset.done $0x0  }
0xfb: {  	[sflag:s10] =	ssyncadd.s32 $0xFFFF6000  }
0xfc: {  	_ =	sfence.sel $0x180000  }
0xfd: {  	[bflag:$0x0] =	sbarrier.arrive $0xFFFF  }
0xfe: {  	_ =	strace $0x90000047  }
0xff: {  	s0 =	stileid.u32;
	[bflag:$0x2] =	sbarrier.arrive $0xFFFF  }
0x100: {  	p0 =	sne.s32 s0, $0x0;
	s0 =	rddreg [dreg:$0x2]  }
0x101: {  	s0 =	sadd.s32 @!p0 $0x100000, s0  }
0x102: {  	[sflag:s0] =	ssyncadd.tile.s32 @!p0 $0x1;
	_ =	shalt  }
.Lfunc_end2:
_tile_overlayer_lowered:
.L_overlay_start_2:
0x103: {  	(tag) =	ssettag $0x2  }
0x104: {  	s0 =	rddreg [dreg:$0x0];
	s2 =	stileid.u32  }
0x105: {  	s1 =	rddreg [dreg:$0x1];
	p0 =	sne.s32 s2, $0x0  }
0x106: {  	s3 =	rddreg [dreg:$0x2];
	[bflag:$0x3] =	sbarrier.arrive $0xFFFF;
	s2 =	simm.s32 @!p0 $0x1C02  }
0x107: {  	[timem:s3], [sflag:s2] =	dma.local @!p0 [hbm:s0], s1  }
0x108: {  	s0 =	simm.s32 @!p0 $0x2  }
0x109: {  	_ =	swait.ge @!p0 [sflag:s0], s1  }
0x10a: {  	s1 =	ssub.s32 @!p0 $0x0, s1;
	[sflag:s0] =	ssyncset.done @!p0 $0x0  }
0x10b: {  	[sflag:s0] =	ssyncadd.s32 @!p0 s1  }
0x10c: {  	[bflag:$0x3] =	sbarrier.arrive $0xFFFF  }
0x10d: {  	_ =	shalt  }

// kernel: sparse-core-data-format-call.cloned.1.call-start
scs
called_computation_lowered:
.L_overlay_start_0:
0x0: {  	s2 =	sld [smem:$0x3FD9]  }
0x1: {  	s3 =	sld [smem:$0x3FFE];
	_ =	sdelay $0x1  }
0x2: {  	s1 =	srdreg.scid  }
0x3: {  	s0 =	sand.u32 $0x1, s1  }
0x4: {  	s18 =	sshll.u32 s0, $0xA;
	s2 =	sadd.s32 s3, s2  }
0x5: {  	s2 =	sadd.s32 s2, s18  }
0x6: {  	[smem:$0x3FC4] =	sst s2  }
0x7: {  	_ = 	snop  }
0x8: {  	s2 =	sld [smem:$0x3FD0];
	(tm) =	ssettm $0x1  }
0x9: {  	s19 =	sld [smem:$0x3FFB];
	_ =	sdelay $0x3  }
0xa: {  	_ =	strace s19  }
0xb: {  	s3 =	sld [smem:$0x3FFC];
	_ =	sdelay $0x3  }
0xc: {  	_ =	strace s3  }
0xd: {  	s3 =	sld [smem:$0x3FFD];
	_ =	sdelay $0x3  }
0xe: {  	_ =	strace s3  }
0xf: {  	_ =	strace $0x8FFFFFFF  }
0x10: {  	s20 =	sld [smem:$0x3FDB];
	_ =	sdelay $0x1  }
0x11: {  	s4 =	simm.s32 $_scs_section_size  }
0x12: {  	s5 =	simm.s32 $_size__tile_overlayer_lowered;
	s6 =	simm.s32 $_tile_overlayer_lowered  }
0x13: {  	s23 =	simm.s32 $0x1BFF;
	s22 =	sshll.u32 s6, $0x1;
	s3 =	sadd.s32 s4, s20  }
0x14: {  	s7 =	simm.s32 $0x0;
	s21 =	sshll.u32 s5, $0x1;
	s5 =	sadd.s32 s22, s3  }
0x15: {  	[timem:s7], [sflag:s23] =	dma.local [hbm:s5], s21  }
0x16: {  	_ =	swait.ge [sflag:s23], s21  }
0x17: {  	s4 =	ssub.s32 $0x0, s21;
	[sflag:s23] =	ssyncset.done $0x0  }
0x18: {  	[sflag:s23] =	ssyncadd.s32 s4;
	_ =	sdelay $0x1  }
0x19: {  	s24 =	simm.s32 $0x1B8B  }
0x1a: {  	_ =	swait.ge [sflag:s24], $0x1  }
0x1b: {  	[sflag:s24] =	ssyncset.done $0x0  }
0x1c: {  	s26 =	simm.s32 $0x1B8E;
	s25 =	sld [smem:$0x3FFE];
	[sflag:s24] =	ssyncadd.s32 $0xFFFFFFFF  }
0x1d: {  	s27 =	simm.s32 $execute0_lowered;
	[smem:$0x3FD2] =	sst s26  }
0x1e: {  	s5 =	sshll.u32 s27, $0x1;
	_ =	strace $0x80000049;
	[dreg:$0x1] =	wrdreg $0xFFFFFFFF  }
0x1f: {  	s28 =	simm.s32 $_size_execute0_lowered;
	s3 =	sadd.s32 s3, s5;
	[dreg:$0x0] =	wrdreg $0x0  }
0x20: {  	s5 =	sshll.u32 s28, $0x1;
	[dreg:$0x2] =	wrdreg s3  }
0x21: {  	[dreg:$0x3] =	wrdreg s5  }
0x22: {  	[dreg:$0x4] =	wrdreg $0xC0  }
0x23: {  	_ =	task [dreg:s7], $0x5FFFF  }
0x24: {  	[dreg:$0x1] =	wrdreg $0xFFFFFFFF  }
0x25: {  	[dreg:$0x0] =	wrdreg $0x60  }
0x26: {  	[dreg:$0x2] =	wrdreg s25  }
0x27: {  	[dreg:$0x3] =	wrdreg s2  }
0x28: {  	[dreg:$0x4] =	wrdreg $0x9  }
0x29: {  	_ =	task.clear_ibuf [dreg:s7], $0x5FFFF;
	_ =	strace $0x90000049  }
0x2a: {  	s29 =	simm.s32 $0x9;
	_ =	strace $0x8000004B  }
0x2b: {  	_ =	swait.ge [sflag:s29], $0x1  }
0x2c: {  	[sflag:s29] =	ssyncadd.s32 $0xFFFFFFFF  }
0x2d: {  	_ =	strace $0x9000004B  }
0x2e: {  	_ =	sfence  }
0x2f: {  	s30 =	sld [smem:$0x0];
	_ =	sdelay $0x2  }
0x30: {  	s31 =	sshll.u32 s1, $0xD;
	s1 =	sshrl.u32 s1, $0x2  }
0x31: {  	s3 =	sand.u32 $0x4000, s31;
	s1 =	sadd.s32 s1, s30  }
0x32: {  	s0 =	sor.u32 s3, s0;
	s1 =	sshll.u32 s1, $0x11  }
0x33: {  	s0 =	sor.u32 s1, s0  }
0x34: {  	s0 =	sadd.s32 $0x8F2B, s0  }
0x35: {  	[sflag:s0] =	ssyncadd.remote.s32 $0x1  }
0x36: {  	_ =	sfence.sel $0xFFFF  }
0x37: {  	[dreg:$0x0] =	wrdreg $0xFFFFFFFF;
	(pc) =	sbr.abs _section_cstart, $3  }
0x38: {  	[dreg:$0x1] =	wrdreg $0xFFFFFFFF  }
0x39: {  	_ =	task.clear_ibuf [dreg:s7], $0x2FFFF;
	_ =	strace $0x9FFFFFFF  }
0x3a: {  	(tm) =	ssettm $0x7FFFFFFF  }
0x3b: {  	_ =	shalt  }
tec
execute0_lowered:
.L_overlay_start_1:
0x0: {  	(tag) =	ssettag $0x1  }
0x1: {  	s0 =	srdreg.scid  }
0x2: {  	s1 =	sshll.u32 s0, $0x4  }
0x3: {  	s0 =	stileid.u32;
	s1 =	sand.u32 $0x10, s1  }
0x4: {  	s1 =	sor.u32 s0, s1  }
0x5: {  	s6 =	rddreg [dreg:$0x0];
	s4 =	simm.s32 $0x1;
	s2 =	sshll.u32 s1, $0x7  }
0x6: {  	s7 =	simm.s32 $0x2;
	s12 =	simm.s32 $0x0;
	s1 =	ssub.s32 $0x4000, s2  }
0x7: {  	s8 =	simm.s32 $0x20000;
	s13 =	simm.s32 $0x0;
	s3 =	sand.u32 $0xF80, s1  }
0x8: {  	s9 =	simm.s32 $0x0;
	s5 =	sshrl.u32 s1, $0xC;
	p0 =	sne.s32 s3, $0x0  }
.Ltmp0:
0x9: {  	s1 =	rddreg [dreg:$0x2];
	s4 =	simm.s32 @!p0 $0x0;
	(pc) =	sbr.rel .LBB1_1-.Ltmp0, $4  }
0xa: {  	s11 =	simm.s32 $0x0;
	s3 =	rddreg [dreg:$0x1];
	s5 =	sadd.s32 s4, s5  }
0xb: {  	_ =	strace $0x8000004A;
	s4 =	simm.s32 $0x1;
	s5 =	smul.u32 $0x32, s5  }
0xc: {  	s6 =	sadd.s32 $0x800, s6;
	s10 =	smov.u32 s2;
	[sflag:s4] =	ssyncpa.u1 $0x0  }
0xd: {  	p0 =	por $0x0, $0x0;
	[sflag:s7] =	ssyncpa.u1 $0x0;
	s7 =	sor.u32 $0x1, s5  }
.LBB1_4:
0xe: {  	s16 =	sshll.u32 s13, $0x3;
	s17 =	sand.u32 $0x78, s13  }
0xf: {  	s30 =	sand.u32 $0x1F800, s13;
	s12 =	sshll.u32 s12, $0x11;
	s16 =	sand.u32 $0x3C00, s16  }
0x10: {  	[tilespmem:s15+$0x810 ss:$0x81] =	vst.msk $0xffff, v2;
	s31 =	sand.u32 $0x7, s13;
	s16 =	sor.u32 s17, s16;
	s17 =	sadd.s32 s3, s30  }
0x11: {  	[tilespmem:s15+$0x1020 ss:$0x81] =	vst.msk $0xffff, v0;
	s13 =	sshll.u32 s31, $0x12;
	s12 =	sadd.s32 s12, s17;
	s16 =	sshrl.u32 s16, $0x3  }
0x12: {  	[tilespmem:s15+$0x0 ss:$0x81] =	vst.msk $0xffff, v1;
	s13 =	sor.u32 $0x400, s13;
	s12 =	sadd.s32 s16, s12  }
0x13: {  	[hbm4b:s12+s13] =	stream.strided.scatter [tilespmem:s14], [sflag:$0x2], $0x2000, s8, s13, $0x20;
	[tilespmem:$0x8080] =	vst v63  }
.LBB1_5:
0x14: {  	s14 =	sadd.s32 $0x1, s9  }
0x15: {  	s12 =	sadd.s32 $0x1000, s10;
	s16 =	smov.u32 s10;
	p2 =	sgt.s32 s14, $0x31  }
0x16: {  	s16 =	smov.u32 @p2 s12  }
0x17: {  	s14 =	simm.s32 @p2 $0x0;
	p2 =	sgt.s32 s16, $0x3FFF  }
0x18: {  	s16 =	smov.u32 @p2 s2;
	p2 =	sne.s32 s11, s7  }
.Ltmp1:
0x19: {  	p1 =	slt.u32 s11, $0x2;
	(pc) =	sbr.rel @!p2 .LBB1_6-.Ltmp1, $4  }
0x1a: {  	s15 =	simm.s32 @!p1 $0x2  }
0x1b: {  	s13 =	smov.u32 s10;
	p0 =	por !p0, !p0;
	_ =	swait.ge @!p1 [sflag:s15], $0x2000  }
0x1c: {  	s12 =	smov.u32 s9;
	[sflag:s15] =	ssyncset.done @!p1 $0x0;
	s9 =	smov.u32 s14  }
0x1d: {  	s11 =	sadd.s32 $0x1, s11;
	[sflag:s15] =	ssyncadd.s32 @!p1 $0xFFFFE000;
	s10 =	smov.u32 s16  }
.LBB1_1:
0x1e: {  	p1 =	sge.u32 s11, s5  }
0x1f: {  	s14 =	sand.u32 @!p1 $0x1FFFFFF, s9  }
0x20: {  	s15 =	smulhi.u32 @!p1 $0x4924925, s14;
	_ =	sdelay $0x1  }
0x21: {  	s15 =	smul.u32 @!p1 $0x38, s15  }
0x22: {  	s16 =	sxor.u32 @!p1 $0xFFFFFFFF, s11;
	s17 =	smul.u32 @!p1 $0x380, s10  }
0x23: {  	s31 =	sadd.s32 $0xFFFFFFFF, s11;
	s16 =	sshll.u32 @!p1 s16, $0xD;
	s14 =	ssub.s32 @!p1 s14, s15  }
0x24: {  	s15 =	sand.u32 @!p1 $0x2000, s16;
	s16 =	sadd.s32 @!p1 s6, s17;
	s14 =	sshll.u32 @!p1 s14, $0x4  }
0x25: {  	s17 =	simm.s32 @!p1 $0x1C00;
	s14 =	sadd.s32 @!p1 s14, s16;
	s16 =	simm.s32 @!p1 $0x40  }
0x26: {  	[tilespmem:s15], [sflag:$0x1] =	stream.strided.gather @!p1 [hbm4b:s14+s16], $0x2000, s17, s16, $0x38;
	[tilespmem:$0x8080] =	vst v63  }
0x27: {  	p1 =	sge.u32 s31, s5  }
.Ltmp2:
0x28: {  	_ = 	snop;
	(pc) =	sbr.rel @p1 .LBB1_5-.Ltmp2, $1  }
0x29: {  	_ =	sdelay $0x3  }
0x2a: {  	s14 =	simm.s32 $0x1  }
0x2b: {  	_ =	swait.ge [sflag:s4], $0x2000;
	s14 =	simm.s32 @!p0 $0x0  }
0x2c: {  	[sflag:s4] =	ssyncset.done $0x0;
	s15 =	sshll.u32 s14, $0xD  }
0x2d: {  	[sflag:s4] =	ssyncadd.s32 $0xFFFFE000;
	s18 =	sor.u32 $0x20, s15  }
0x2e: {  	s14 =	smul.u32 $0x8100, s14;
	v3 =	vld [tilespmem:s18+$0x10]  }
0x2f: {  	s30 =	sand.u32 $0x1, s11;
	v2 =	vld [tilespmem:s18+$0xFFFFFFF0]  }
0x30: {  	s15 =	smul.u32 $0x8100, s30;
	s14 =	sshrl.u32 s14, $0x2;
	v0 =	vld [tilespmem:s18+$0x0]  }
0x31: {  	v1 =	vld [tilespmem:s18+$0xFFFFFFE0];
	s16 =	sor.u32 $0x4000, s14  }
0x32: {  	s31 =	sshrl.u32 s15, $0x2;
	s15 =	sadd.s32 $0x0, s16  }
0x33: {  	s17 =	simm.s32 $0x4;
	s18 =	sadd.s32 $0x40, s18;
	s14 =	sor.u32 $0x4000, s31;
	[tilespmem:s15+$0x1830 ss:$0x81] =	vst.msk $0xffff, v3  }
.LBB1_3:
0x34: {  	v3 =	vld [tilespmem:s18+$0x10];
	p1 =	sne.s32 s17, $0x1FC;
	[tilespmem:s15+$0x810 ss:$0x81] =	vst.msk $0xffff, v2;
	s19 =	smov.u32 s17;
	s17 =	sadd.s32 $0x4, s17  }
.Ltmp3:
0x35: {  	v2 =	vld [tilespmem:s18+$0xFFFFFFF0];
	[tilespmem:s15+$0x1020 ss:$0x81] =	vst.msk $0xffff, v0;
	(pc) =	sbr.rel @p1 .LBB1_3-.Ltmp3, $4  }
0x36: {  	v0 =	vld [tilespmem:s18+$0x0];
	[tilespmem:s15+$0x0 ss:$0x81] =	vst.msk $0xffff, v1  }
0x37: {  	s15 =	sshra.s32 s19, $0x2;
	v1 =	vld [tilespmem:s18+$0xFFFFFFE0]  }
0x38: {  	s15 =	sadd.s32 s15, s16  }
0x39: {  	s18 =	sadd.s32 $0x40, s18;
	[tilespmem:s15+$0x1830 ss:$0x81] =	vst.msk $0xffff, v3  }
.Ltmp4:
0x3a: {  	_ = 	snop;
	(pc) =	sbr.rel .LBB1_4-.Ltmp4, $1  }
0x3b: {  	_ =	sdelay $0x3  }
.LBB1_6:
0x3c: {  	_ =	sfence.sel $0x180000  }
0x3d: {  	s2 =	simm.s32 $0x1;
	[bflag:$0x0] =	sbarrier.arrive $0xFFFF  }
0x3e: {  	s31 =	simm.s32 $0x2;
	[sflag:s2] =	ssyncpa.u1 $0x1  }
0x3f: {  	[sflag:s31] =	ssyncpa.u1 $0x1  }
0x40: {  	p0 =	sne.s32 s0, $0x0;
	_ =	strace $0x9000004A  }
0x41: {  	s0 =	sadd.s32 @!p0 $0x100000, s1;
	[bflag:$0x2] =	sbarrier.arrive $0xFFFF  }
0x42: {  	[sflag:s0] =	ssyncadd.tile.s32 @!p0 $0x1;
	_ =	shalt  }
.Lfunc_end1:
_tile_overlayer_lowered:
.L_overlay_start_2:
0x43: {  	(tag) =	ssettag $0x2  }
0x44: {  	s0 =	rddreg [dreg:$0x0];
	s2 =	stileid.u32  }
0x45: {  	s1 =	rddreg [dreg:$0x1];
	p0 =	sne.s32 s2, $0x0  }
0x46: {  	s3 =	rddreg [dreg:$0x2];
	[bflag:$0x3] =	sbarrier.arrive $0xFFFF;
	s2 =	simm.s32 @!p0 $0x1C01  }
0x47: {  	[timem:s3], [sflag:s2] =	dma.local @!p0 [hbm:s0], s1  }
0x48: {  	s0 =	simm.s32 @!p0 $0x1  }
0x49: {  	_ =	swait.ge @!p0 [sflag:s0], s1  }
0x4a: {  	s1 =	ssub.s32 @!p0 $0x0, s1;
	[sflag:s0] =	ssyncset.done @!p0 $0x0  }
0x4b: {  	[sflag:s0] =	ssyncadd.s32 @!p0 s1  }
0x4c: {  	[bflag:$0x3] =	sbarrier.arrive $0xFFFF  }
0x4d: {  	_ =	shalt  }

</sc_bundles>
